<compile_context>
chip_gen: v7x
topology: tpu7x:2x2x1
jax: 0.10.2.dev20260603
libtpu: 0.0.44.dev20260713+nightly
codegen_flags: <defaults>
</compile_context>

<pallas_src>
import functools

import jax
import jax.numpy as jnp
import numpy as np
from jax import lax
from jax.experimental import pallas as pl
from jax.experimental.pallas import tpu as pltpu
from jax.experimental.pallas import tpu_sc as plsc

_CUTOFF = 5.0
_NRBF = 16
_INV_W = np.float32(1.0) / np.float32(_CUTOFF / (_NRBF - 1))


_L = 160000

_Y_SCALE = np.float32(np.pi / (2.0 * _CUTOFF))
_ygrid = np.linspace(0.0, np.pi / 2, 4001)
_ugrid = _ygrid**2
_A = np.stack([_ugrid**i for i in range(6)], axis=1)
_CC = np.linalg.lstsq(_A, np.cos(_ygrid) ** 2, rcond=None)[0].astype(np.float32)


def _rbf_body(d3_ref, fij_ref, fcut_ref):
    d = d3_ref[...].reshape(1, _L)
    db = pltpu.repeat(d * _INV_W, _NRBF, 0)
    k = lax.broadcasted_iota(jnp.int32, (_NRBF, _L), 0).astype(jnp.float32)
    t = db - k
    fij_ref[...] = jnp.exp2(np.float32(-0.5 * np.log2(np.e)) * t * t)
    y = d * _Y_SCALE
    u = y * y
    fc = jnp.full_like(u, _CC[5])
    for c in _CC[4::-1]:
        fc = fc * u + c
    fcut_ref[...] = jnp.where(d < _CUTOFF, fc, 0.0).reshape(1, 1, _L)


def _rbf_tc(d_flat):
    p = d_flat.shape[0]
    grid = p // _L

    d3 = d_flat.reshape(grid, 1, _L)

    fij_t, fcut = pl.pallas_call(
        _rbf_body,
        grid=(grid,),
        in_specs=[
            pl.BlockSpec((1, 1, _L), lambda i: (i, 0, 0)),
        ],
        out_specs=[
            pl.BlockSpec((_NRBF, _L), lambda i: (0, i)),
            pl.BlockSpec((1, 1, _L), lambda i: (i, 0, 0)),
        ],
        out_shape=[
            jax.ShapeDtypeStruct((_NRBF, p), jnp.float32),
            jax.ShapeDtypeStruct((grid, 1, _L), jnp.float32),
        ],
        compiler_params=pltpu.CompilerParams(
            dimension_semantics=("arbitrary",)),
    )(d3)
    return fij_t.T, fcut.reshape(p, 1)



_SC_NW = 32
_SC_BPW = 3200
_SC_GRP = _SC_BPW // 16
_N_ATOMS = 100000
_EMB_D = 32
_MAX_Z = 101
_SC_NPAD = 100096
_SC_LAST = _SC_NPAD - (_SC_NW - 1) * _SC_BPW


@functools.cache
def _build_emb_sc():
    @functools.partial(
        pl.kernel,
        out_type=jax.ShapeDtypeStruct((_EMB_D, _SC_NPAD), jnp.float32),
        mesh=plsc.VectorSubcoreMesh(core_axis_name="c", subcore_axis_name="s"),
        compiler_params=pltpu.CompilerParams(needs_layout_passes=False),
        scratch_types=[
            pltpu.VMEM((_SC_BPW,), jnp.int32),
            pltpu.VMEM((_MAX_Z * _EMB_D,), jnp.float32),
            pltpu.VMEM((_EMB_D, _SC_BPW), jnp.float32),
        ],
    )
    def _emb_sc(idx_hbm, table_hbm, out_hbm, idx_v, table_v, rows_v):
        wid = lax.axis_index("s") * 2 + lax.axis_index("c")
        base = wid * _SC_BPW
        pltpu.sync_copy(idx_hbm.at[pl.ds(base, _SC_BPW)], idx_v)
        pltpu.sync_copy(table_hbm, table_v)

        @plsc.parallel_loop(0, _SC_GRP, step=1, unroll=4)
        def _gather_loop(g):
            src = idx_v[pl.ds(g * 16, 16)] * _EMB_D
            for j in range(_EMB_D):
                vals = plsc.load_gather(table_v, [src + j])
                rows_v[j, pl.ds(g * 16, 16)] = vals

        @pl.when(wid < _SC_NW - 1)
        def _():
            pltpu.sync_copy(rows_v, out_hbm.at[:, pl.ds(base, _SC_BPW)])

        @pl.when(wid == _SC_NW - 1)
        def _():
            pltpu.sync_copy(rows_v.at[:, pl.ds(0, _SC_LAST)],
                            out_hbm.at[:, pl.ds(base, _SC_LAST)])

    return _emb_sc


def _emb_gather(atomic_numbers, embedding_table):
    pad = _SC_NW * _SC_BPW - atomic_numbers.shape[0]
    idx = jnp.concatenate([atomic_numbers, jnp.zeros((pad,), jnp.int32)])
    emb_t = _build_emb_sc()(idx, embedding_table.reshape(-1))
    return emb_t[:, :_N_ATOMS].T



def kernel(d_ij, atomic_numbers, embedding_table):
    f_ij, f_cutoff = _rbf_tc(d_ij.reshape(-1))
    atomic_embedding = _emb_gather(atomic_numbers, embedding_table)
    return (f_ij, f_cutoff, atomic_embedding)

# --- scband reference (transcript-rebuilt; emitter-appended) ---
"""Pipeline reference for scband-sch-netrepresentation-52475910422534 (READ-ONLY COPY).

The authoritative reference and input builder live on the scoring server;
editing this copy changes nothing except your own understanding.
"""

import jax, jax.numpy as jnp
import numpy as np

RADIAL_CUTOFF = 5.0
N_RBF = 16
MAX_Z = 101
EMBED_DIM = 32
N_PAIRS = 3200000
N_ATOMS = 100000


def setup_inputs(seed: int = 0) -> dict:
    key = jax.random.key(seed)
    k1, k2, k3 = jax.random.split(key, 3)
    # pairwise distances in [0, cutoff)
    d_ij = jax.random.uniform(k1, (N_PAIRS, 1), dtype=jnp.float32) * RADIAL_CUTOFF
    atomic_numbers = jax.random.randint(k2, (N_ATOMS,), 0, MAX_Z, dtype=jnp.int32)
    # learned atomic embedding table (FeaturizeInput: nn.Embedding(max_Z, per_atom_features))
    embedding_table = jax.random.normal(k3, (MAX_Z, EMBED_DIM), dtype=jnp.float32)
    return {"d_ij": d_ij, "atomic_numbers": atomic_numbers, "embedding_table": embedding_table}


def reference(d_ij, atomic_numbers, embedding_table):
    # --- SchnetRadialBasisFunction: Gaussian RBF with evenly spaced centers on [0, cutoff] ---
    centers = jnp.linspace(0.0, RADIAL_CUTOFF, N_RBF, dtype=jnp.float32)
    width = centers[1] - centers[0]  # scale factor = grid spacing
    diff = (d_ij - centers[None, :]) / width  # [P, N_RBF]
    f_ij = jnp.exp(-0.5 * diff * diff)
    # --- CosineAttenuationFunction (cosine cutoff) ---
    f_cutoff = 0.5 * (jnp.cos(d_ij * jnp.pi / RADIAL_CUTOFF) + 1.0)
    f_cutoff = f_cutoff * (d_ij < RADIAL_CUTOFF).astype(f_cutoff.dtype)  # [P, 1]
    # --- FeaturizeInput: embedding lookup on atomic numbers ---
    atomic_embedding = jnp.take(embedding_table, atomic_numbers, axis=0)  # [N_ATOMS, EMBED_DIM]
    return (f_ij, f_cutoff, atomic_embedding)

if __name__ == "__main__":
    import jax
    _d = setup_inputs()
    print(jax.jit(kernel)(*tuple(_d.values())))

</pallas_src>

<mosaic_0001>
#map = affine_map<(d0, d1) -> (0)>
#map1 = affine_map<(d0, d1) -> (0, 0)>
module attributes {stable_mosaic.version = 14 : i64} {
  func.func @_emb_sc(%arg0: i32, %arg1: i32, %arg2: memref<102400xi32, #tpu.memory_space<hbm>>, %arg3: memref<3232xf32, #tpu.memory_space<hbm>>, %arg4: memref<32x100096xf32, #tpu.memory_space<hbm>>, %arg5: memref<3200xi32, #tpu.memory_space<vmem>>, %arg6: memref<3232xf32, #tpu.memory_space<vmem>>, %arg7: memref<32x3200xf32, #tpu.memory_space<vmem>>) attributes {dimension_semantics = [#tpu.dimension_semantics<core_parallel>, #tpu.dimension_semantics<subcore_parallel>], iteration_bounds = array<i64: 2, 16>, scalar_prefetch = 0 : i64, scratch_operands = 3 : i64, tpu.core_type = #tpu.core_type<sc_vector_subcore>, window_params = [{transform_indices = #map}, {transform_indices = #map}, {transform_indices = #map1}]} {
    %mul3A = arith.constant 2 : i32
    %mul3A_0 = arith.muli %arg1, %mul3A : i32
    %add3A = arith.addi %mul3A_0, %arg0 : i32
    %mul3A_1 = arith.constant 3200 : i32
    %mul3A_2 = arith.muli %add3A, %mul3A_1 : i32
    "tpu.region"() ({
      %run_scoped3A = tpu.sem_alloc : memref<!tpu.dma_semaphore, #tpu.memory_space<semaphore_mem>>
      %dma_start3A = tpu.memref_slice %arg2[%mul3A_2] : memref<102400xi32, #tpu.memory_space<hbm>> -> memref<3200xi32, #tpu.memory_space<hbm>>
      %dma_start3A_11 = tpu.memref_slice %arg2[%mul3A_2] : memref<102400xi32, #tpu.memory_space<hbm>> -> memref<3200xi32, #tpu.memory_space<hbm>>
      tpu.enqueue_dma source(%dma_start3A_11 : memref<3200xi32, #tpu.memory_space<hbm>>) target(%arg5 : memref<3200xi32, #tpu.memory_space<vmem>>) target_semaphore(%run_scoped3A : memref<!tpu.dma_semaphore, #tpu.memory_space<semaphore_mem>>)
      %dma_wait3A = tpu.memref_slice %arg2[%mul3A_2] : memref<102400xi32, #tpu.memory_space<hbm>> -> memref<3200xi32, #tpu.memory_space<hbm>>
      %dma_wait3A_12 = tpu.memref_slice %arg2[%mul3A_2] : memref<102400xi32, #tpu.memory_space<hbm>> -> memref<3200xi32, #tpu.memory_space<hbm>>
      tpu.wait_dma2 semaphore(%run_scoped3A : memref<!tpu.dma_semaphore, #tpu.memory_space<semaphore_mem>>) src(%dma_wait3A_12 : memref<3200xi32, #tpu.memory_space<hbm>>) dst(%arg5 : memref<3200xi32, #tpu.memory_space<vmem>>)
      tpu.yield
    }) : () -> ()
    "tpu.region"() ({
      %run_scoped3A = tpu.sem_alloc : memref<!tpu.dma_semaphore, #tpu.memory_space<semaphore_mem>>
      tpu.enqueue_dma source(%arg3 : memref<3232xf32, #tpu.memory_space<hbm>>) target(%arg6 : memref<3232xf32, #tpu.memory_space<vmem>>) target_semaphore(%run_scoped3A : memref<!tpu.dma_semaphore, #tpu.memory_space<semaphore_mem>>)
      tpu.wait_dma2 semaphore(%run_scoped3A : memref<!tpu.dma_semaphore, #tpu.memory_space<semaphore_mem>>) src(%arg3 : memref<3232xf32, #tpu.memory_space<hbm>>) dst(%arg6 : memref<3232xf32, #tpu.memory_space<vmem>>)
      tpu.yield
    }) : () -> ()
    %parallel_loop3A = arith.constant 0 : i32
    %parallel_loop3A_3 = arith.constant 200 : i32
    %parallel_loop3A_4 = arith.constant 1 : i32
    scf.for %parallel_loop3A_11 = %parallel_loop3A to %parallel_loop3A_3 step %parallel_loop3A_4  : i32 {
      %parallel_loop3A_12 = arith.constant 16 : i32
      %parallel_loop3A_13 = arith.muli %parallel_loop3A_11, %parallel_loop3A_12 : i32
      %parallel_loop3A_14 = arith.index_cast %parallel_loop3A_13 : i32 to index
      %parallel_loop3A_15 = tpu.vector_load %arg5[%parallel_loop3A_14] {strides = array<i32>} : memref<3200xi32, #tpu.memory_space<vmem>>, vector<16xi32>,
      %parallel_loop3A_16 = arith.constant 32 : i32
      %parallel_loop3A_17 = vector.broadcast %parallel_loop3A_16 : i32 to vector<16xi32>
      %parallel_loop3A_18 = arith.muli %parallel_loop3A_15, %parallel_loop3A_17 : vector<16xi32>
      %parallel_loop3A_19 = arith.constant 0 : i32
      %parallel_loop3A_20 = vector.broadcast %parallel_loop3A_19 : i32 to vector<16xi32>
      %parallel_loop3A_21 = arith.addi %parallel_loop3A_18, %parallel_loop3A_20 : vector<16xi32>
      %parallel_loop3A_22 = tpu.vector_load_idx %arg6[%parallel_loop3A_21] : memref<3232xf32, #tpu.memory_space<vmem>>[vector<16xi32>], vector<16xf32>,
      %parallel_loop3A_23 = arith.constant 16 : i32
      %parallel_loop3A_24 = arith.muli %parallel_loop3A_11, %parallel_loop3A_23 : i32
      %parallel_loop3A_25 = arith.constant 0 : i32
      %parallel_loop3A_26 = arith.index_cast %parallel_loop3A_25 : i32 to index
      %parallel_loop3A_27 = arith.index_cast %parallel_loop3A_24 : i32 to index
      %parallel_loop3A_28 = tpu.vector_load %arg7[%parallel_loop3A_26, %parallel_loop3A_27] {strides = array<i32>} : memref<32x3200xf32, #tpu.memory_space<vmem>>, vector<16xf32>,
      tpu.vector_store %arg7[%parallel_loop3A_26, %parallel_loop3A_27], %parallel_loop3A_22 {strides = array<i32>} : memref<32x3200xf32, #tpu.memory_space<vmem>>, vector<16xf32>,
      %parallel_loop3A_29 = arith.constant 1 : i32
      %parallel_loop3A_30 = vector.broadcast %parallel_loop3A_29 : i32 to vector<16xi32>
      %parallel_loop3A_31 = arith.addi %parallel_loop3A_18, %parallel_loop3A_30 : vector<16xi32>
      %parallel_loop3A_32 = tpu.vector_load_idx %arg6[%parallel_loop3A_31] : memref<3232xf32, #tpu.memory_space<vmem>>[vector<16xi32>], vector<16xf32>,
      %parallel_loop3A_33 = arith.constant 16 : i32
      %parallel_loop3A_34 = arith.muli %parallel_loop3A_11, %parallel_loop3A_33 : i32
      %parallel_loop3A_35 = arith.constant 1 : i32
      %parallel_loop3A_36 = arith.index_cast %parallel_loop3A_35 : i32 to index
      %parallel_loop3A_37 = arith.index_cast %parallel_loop3A_34 : i32 to index
      %parallel_loop3A_38 = tpu.vector_load %arg7[%parallel_loop3A_36, %parallel_loop3A_37] {strides = array<i32>} : memref<32x3200xf32, #tpu.memory_space<vmem>>, vector<16xf32>,
      tpu.vector_store %arg7[%parallel_loop3A_36, %parallel_loop3A_37], %parallel_loop3A_32 {strides = array<i32>} : memref<32x3200xf32, #tpu.memory_space<vmem>>, vector<16xf32>,
      %parallel_loop3A_39 = arith.constant 2 : i32
      %parallel_loop3A_40 = vector.broadcast %parallel_loop3A_39 : i32 to vector<16xi32>
      %parallel_loop3A_41 = arith.addi %parallel_loop3A_18, %parallel_loop3A_40 : vector<16xi32>
      %parallel_loop3A_42 = tpu.vector_load_idx %arg6[%parallel_loop3A_41] : memref<3232xf32, #tpu.memory_space<vmem>>[vector<16xi32>], vector<16xf32>,
      %parallel_loop3A_43 = arith.constant 16 : i32
      %parallel_loop3A_44 = arith.muli %parallel_loop3A_11, %parallel_loop3A_43 : i32
      %parallel_loop3A_45 = arith.constant 2 : i32
      %parallel_loop3A_46 = arith.index_cast %parallel_loop3A_45 : i32 to index
      %parallel_loop3A_47 = arith.index_cast %parallel_loop3A_44 : i32 to index
      %parallel_loop3A_48 = tpu.vector_load %arg7[%parallel_loop3A_46, %parallel_loop3A_47] {strides = array<i32>} : memref<32x3200xf32, #tpu.memory_space<vmem>>, vector<16xf32>,
      tpu.vector_store %arg7[%parallel_loop3A_46, %parallel_loop3A_47], %parallel_loop3A_42 {strides = array<i32>} : memref<32x3200xf32, #tpu.memory_space<vmem>>, vector<16xf32>,
      %parallel_loop3A_49 = arith.constant 3 : i32
      %parallel_loop3A_50 = vector.broadcast %parallel_loop3A_49 : i32 to vector<16xi32>
      %parallel_loop3A_51 = arith.addi %parallel_loop3A_18, %parallel_loop3A_50 : vector<16xi32>
      %parallel_loop3A_52 = tpu.vector_load_idx %arg6[%parallel_loop3A_51] : memref<3232xf32, #tpu.memory_space<vmem>>[vector<16xi32>], vector<16xf32>,
      %parallel_loop3A_53 = arith.constant 16 : i32
      %parallel_loop3A_54 = arith.muli %parallel_loop3A_11, %parallel_loop3A_53 : i32
      %parallel_loop3A_55 = arith.constant 3 : i32
      %parallel_loop3A_56 = arith.index_cast %parallel_loop3A_55 : i32 to index
      %parallel_loop3A_57 = arith.index_cast %parallel_loop3A_54 : i32 to index
      %parallel_loop3A_58 = tpu.vector_load %arg7[%parallel_loop3A_56, %parallel_loop3A_57] {strides = array<i32>} : memref<32x3200xf32, #tpu.memory_space<vmem>>, vector<16xf32>,
      tpu.vector_store %arg7[%parallel_loop3A_56, %parallel_loop3A_57], %parallel_loop3A_52 {strides = array<i32>} : memref<32x3200xf32, #tpu.memory_space<vmem>>, vector<16xf32>,
      %parallel_loop3A_59 = arith.constant 4 : i32
      %parallel_loop3A_60 = vector.broadcast %parallel_loop3A_59 : i32 to vector<16xi32>
      %parallel_loop3A_61 = arith.addi %parallel_loop3A_18, %parallel_loop3A_60 : vector<16xi32>
      %parallel_loop3A_62 = tpu.vector_load_idx %arg6[%parallel_loop3A_61] : memref<3232xf32, #tpu.memory_space<vmem>>[vector<16xi32>], vector<16xf32>,
      %parallel_loop3A_63 = arith.constant 16 : i32
      %parallel_loop3A_64 = arith.muli %parallel_loop3A_11, %parallel_loop3A_63 : i32
      %parallel_loop3A_65 = arith.constant 4 : i32
      %parallel_loop3A_66 = arith.index_cast %parallel_loop3A_65 : i32 to index
      %parallel_loop3A_67 = arith.index_cast %parallel_loop3A_64 : i32 to index
      %parallel_loop3A_68 = tpu.vector_load %arg7[%parallel_loop3A_66, %parallel_loop3A_67] {strides = array<i32>} : memref<32x3200xf32, #tpu.memory_space<vmem>>, vector<16xf32>,
      tpu.vector_store %arg7[%parallel_loop3A_66, %parallel_loop3A_67], %parallel_loop3A_62 {strides = array<i32>} : memref<32x3200xf32, #tpu.memory_space<vmem>>, vector<16xf32>,
      %parallel_loop3A_69 = arith.constant 5 : i32
      %parallel_loop3A_70 = vector.broadcast %parallel_loop3A_69 : i32 to vector<16xi32>
      %parallel_loop3A_71 = arith.addi %parallel_loop3A_18, %parallel_loop3A_70 : vector<16xi32>
      %parallel_loop3A_72 = tpu.vector_load_idx %arg6[%parallel_loop3A_71] : memref<3232xf32, #tpu.memory_space<vmem>>[vector<16xi32>], vector<16xf32>,
      %parallel_loop3A_73 = arith.constant 16 : i32
      %parallel_loop3A_74 = arith.muli %parallel_loop3A_11, %parallel_loop3A_73 : i32
      %parallel_loop3A_75 = arith.constant 5 : i32
      %parallel_loop3A_76 = arith.index_cast %parallel_loop3A_75 : i32 to index
      %parallel_loop3A_77 = arith.index_cast %parallel_loop3A_74 : i32 to index
      %parallel_loop3A_78 = tpu.vector_load %arg7[%parallel_loop3A_76, %parallel_loop3A_77] {strides = array<i32>} : memref<32x3200xf32, #tpu.memory_space<vmem>>, vector<16xf32>,
      tpu.vector_store %arg7[%parallel_loop3A_76, %parallel_loop3A_77], %parallel_loop3A_72 {strides = array<i32>} : memref<32x3200xf32, #tpu.memory_space<vmem>>, vector<16xf32>,
      %parallel_loop3A_79 = arith.constant 6 : i32
      %parallel_loop3A_80 = vector.broadcast %parallel_loop3A_79 : i32 to vector<16xi32>
      %parallel_loop3A_81 = arith.addi %parallel_loop3A_18, %parallel_loop3A_80 : vector<16xi32>
      %parallel_loop3A_82 = tpu.vector_load_idx %arg6[%parallel_loop3A_81] : memref<3232xf32, #tpu.memory_space<vmem>>[vector<16xi32>], vector<16xf32>,
      %parallel_loop3A_83 = arith.constant 16 : i32
      %parallel_loop3A_84 = arith.muli %parallel_loop3A_11, %parallel_loop3A_83 : i32
      %parallel_loop3A_85 = arith.constant 6 : i32
      %parallel_loop3A_86 = arith.index_cast %parallel_loop3A_85 : i32 to index
      %parallel_loop3A_87 = arith.index_cast %parallel_loop3A_84 : i32 to index
      %parallel_loop3A_88 = tpu.vector_load %arg7[%parallel_loop3A_86, %parallel_loop3A_87] {strides = array<i32>} : memref<32x3200xf32, #tpu.memory_space<vmem>>, vector<16xf32>,
      tpu.vector_store %arg7[%parallel_loop3A_86, %parallel_loop3A_87], %parallel_loop3A_82 {strides = array<i32>} : memref<32x3200xf32, #tpu.memory_space<vmem>>, vector<16xf32>,
      %parallel_loop3A_89 = arith.constant 7 : i32
      %parallel_loop3A_90 = vector.broadcast %parallel_loop3A_89 : i32 to vector<16xi32>
      %parallel_loop3A_91 = arith.addi %parallel_loop3A_18, %parallel_loop3A_90 : vector<16xi32>
      %parallel_loop3A_92 = tpu.vector_load_idx %arg6[%parallel_loop3A_91] : memref<3232xf32, #tpu.memory_space<vmem>>[vector<16xi32>], vector<16xf32>,
      %parallel_loop3A_93 = arith.constant 16 : i32
      %parallel_loop3A_94 = arith.muli %parallel_loop3A_11, %parallel_loop3A_93 : i32
      %parallel_loop3A_95 = arith.constant 7 : i32
      %parallel_loop3A_96 = arith.index_cast %parallel_loop3A_95 : i32 to index
      %parallel_loop3A_97 = arith.index_cast %parallel_loop3A_94 : i32 to index
      %parallel_loop3A_98 = tpu.vector_load %arg7[%parallel_loop3A_96, %parallel_loop3A_97] {strides = array<i32>} : memref<32x3200xf32, #tpu.memory_space<vmem>>, vector<16xf32>,
      tpu.vector_store %arg7[%parallel_loop3A_96, %parallel_loop3A_97], %parallel_loop3A_92 {strides = array<i32>} : memref<32x3200xf32, #tpu.memory_space<vmem>>, vector<16xf32>,
      %parallel_loop3A_99 = arith.constant 8 : i32
      %parallel_loop3A_100 = vector.broadcast %parallel_loop3A_99 : i32 to vector<16xi32>
      %parallel_loop3A_101 = arith.addi %parallel_loop3A_18, %parallel_loop3A_100 : vector<16xi32>
      %parallel_loop3A_102 = tpu.vector_load_idx %arg6[%parallel_loop3A_101] : memref<3232xf32, #tpu.memory_space<vmem>>[vector<16xi32>], vector<16xf32>,
      %parallel_loop3A_103 = arith.constant 16 : i32
      %parallel_loop3A_104 = arith.muli %parallel_loop3A_11, %parallel_loop3A_103 : i32
      %parallel_loop3A_105 = arith.constant 8 : i32
      %parallel_loop3A_106 = arith.index_cast %parallel_loop3A_105 : i32 to index
      %parallel_loop3A_107 = arith.index_cast %parallel_loop3A_104 : i32 to index
      %parallel_loop3A_108 = tpu.vector_load %arg7[%parallel_loop3A_106, %parallel_loop3A_107] {strides = array<i32>} : memref<32x3200xf32, #tpu.memory_space<vmem>>, vector<16xf32>,
      tpu.vector_store %arg7[%parallel_loop3A_106, %parallel_loop3A_107], %parallel_loop3A_102 {strides = array<i32>} : memref<32x3200xf32, #tpu.memory_space<vmem>>, vector<16xf32>,
      %parallel_loop3A_109 = arith.constant 9 : i32
      %parallel_loop3A_110 = vector.broadcast %parallel_loop3A_109 : i32 to vector<16xi32>
      %parallel_loop3A_111 = arith.addi %parallel_loop3A_18, %parallel_loop3A_110 : vector<16xi32>
      %parallel_loop3A_112 = tpu.vector_load_idx %arg6[%parallel_loop3A_111] : memref<3232xf32, #tpu.memory_space<vmem>>[vector<16xi32>], vector<16xf32>,
      %parallel_loop3A_113 = arith.constant 16 : i32
      %parallel_loop3A_114 = arith.muli %parallel_loop3A_11, %parallel_loop3A_113 : i32
      %parallel_loop3A_115 = arith.constant 9 : i32
      %parallel_loop3A_116 = arith.index_cast %parallel_loop3A_115 : i32 to index
      %parallel_loop3A_117 = arith.index_cast %parallel_loop3A_114 : i32 to index
      %parallel_loop3A_118 = tpu.vector_load %arg7[%parallel_loop3A_116, %parallel_loop3A_117] {strides = array<i32>} : memref<32x3200xf32, #tpu.memory_space<vmem>>, vector<16xf32>,
      tpu.vector_store %arg7[%parallel_loop3A_116, %parallel_loop3A_117], %parallel_loop3A_112 {strides = array<i32>} : memref<32x3200xf32, #tpu.memory_space<vmem>>, vector<16xf32>,
      %parallel_loop3A_119 = arith.constant 10 : i32
      %parallel_loop3A_120 = vector.broadcast %parallel_loop3A_119 : i32 to vector<16xi32>
      %parallel_loop3A_121 = arith.addi %parallel_loop3A_18, %parallel_loop3A_120 : vector<16xi32>
      %parallel_loop3A_122 = tpu.vector_load_idx %arg6[%parallel_loop3A_121] : memref<3232xf32, #tpu.memory_space<vmem>>[vector<16xi32>], vector<16xf32>,
      %parallel_loop3A_123 = arith.constant 16 : i32
      %parallel_loop3A_124 = arith.muli %parallel_loop3A_11, %parallel_loop3A_123 : i32
      %parallel_loop3A_125 = arith.constant 10 : i32
      %parallel_loop3A_126 = arith.index_cast %parallel_loop3A_125 : i32 to index
      %parallel_loop3A_127 = arith.index_cast %parallel_loop3A_124 : i32 to index
      %parallel_loop3A_128 = tpu.vector_load %arg7[%parallel_loop3A_126, %parallel_loop3A_127] {strides = array<i32>} : memref<32x3200xf32, #tpu.memory_space<vmem>>, vector<16xf32>,
      tpu.vector_store %arg7[%parallel_loop3A_126, %parallel_loop3A_127], %parallel_loop3A_122 {strides = array<i32>} : memref<32x3200xf32, #tpu.memory_space<vmem>>, vector<16xf32>,
      %parallel_loop3A_129 = arith.constant 11 : i32
      %parallel_loop3A_130 = vector.broadcast %parallel_loop3A_129 : i32 to vector<16xi32>
      %parallel_loop3A_131 = arith.addi %parallel_loop3A_18, %parallel_loop3A_130 : vector<16xi32>
      %parallel_loop3A_132 = tpu.vector_load_idx %arg6[%parallel_loop3A_131] : memref<3232xf32, #tpu.memory_space<vmem>>[vector<16xi32>], vector<16xf32>,
      %parallel_loop3A_133 = arith.constant 16 : i32
      %parallel_loop3A_134 = arith.muli %parallel_loop3A_11, %parallel_loop3A_133 : i32
      %parallel_loop3A_135 = arith.constant 11 : i32
      %parallel_loop3A_136 = arith.index_cast %parallel_loop3A_135 : i32 to index
      %parallel_loop3A_137 = arith.index_cast %parallel_loop3A_134 : i32 to index
      %parallel_loop3A_138 = tpu.vector_load %arg7[%parallel_loop3A_136, %parallel_loop3A_137] {strides = array<i32>} : memref<32x3200xf32, #tpu.memory_space<vmem>>, vector<16xf32>,
      tpu.vector_store %arg7[%parallel_loop3A_136, %parallel_loop3A_137], %parallel_loop3A_132 {strides = array<i32>} : memref<32x3200xf32, #tpu.memory_space<vmem>>, vector<16xf32>,
      %parallel_loop3A_139 = arith.constant 12 : i32
      %parallel_loop3A_140 = vector.broadcast %parallel_loop3A_139 : i32 to vector<16xi32>
      %parallel_loop3A_141 = arith.addi %parallel_loop3A_18, %parallel_loop3A_140 : vector<16xi32>
      %parallel_loop3A_142 = tpu.vector_load_idx %arg6[%parallel_loop3A_141] : memref<3232xf32, #tpu.memory_space<vmem>>[vector<16xi32>], vector<16xf32>,
      %parallel_loop3A_143 = arith.constant 16 : i32
      %parallel_loop3A_144 = arith.muli %parallel_loop3A_11, %parallel_loop3A_143 : i32
      %parallel_loop3A_145 = arith.constant 12 : i32
      %parallel_loop3A_146 = arith.index_cast %parallel_loop3A_145 : i32 to index
      %parallel_loop3A_147 = arith.index_cast %parallel_loop3A_144 : i32 to index
      %parallel_loop3A_148 = tpu.vector_load %arg7[%parallel_loop3A_146, %parallel_loop3A_147] {strides = array<i32>} : memref<32x3200xf32, #tpu.memory_space<vmem>>, vector<16xf32>,
      tpu.vector_store %arg7[%parallel_loop3A_146, %parallel_loop3A_147], %parallel_loop3A_142 {strides = array<i32>} : memref<32x3200xf32, #tpu.memory_space<vmem>>, vector<16xf32>,
      %parallel_loop3A_149 = arith.constant 13 : i32
      %parallel_loop3A_150 = vector.broadcast %parallel_loop3A_149 : i32 to vector<16xi32>
      %parallel_loop3A_151 = arith.addi %parallel_loop3A_18, %parallel_loop3A_150 : vector<16xi32>
      %parallel_loop3A_152 = tpu.vector_load_idx %arg6[%parallel_loop3A_151] : memref<3232xf32, #tpu.memory_space<vmem>>[vector<16xi32>], vector<16xf32>,
      %parallel_loop3A_153 = arith.constant 16 : i32
      %parallel_loop3A_154 = arith.muli %parallel_loop3A_11, %parallel_loop3A_153 : i32
      %parallel_loop3A_155 = arith.constant 13 : i32
      %parallel_loop3A_156 = arith.index_cast %parallel_loop3A_155 : i32 to index
      %parallel_loop3A_157 = arith.index_cast %parallel_loop3A_154 : i32 to index
      %parallel_loop3A_158 = tpu.vector_load %arg7[%parallel_loop3A_156, %parallel_loop3A_157] {strides = array<i32>} : memref<32x3200xf32, #tpu.memory_space<vmem>>, vector<16xf32>,
      tpu.vector_store %arg7[%parallel_loop3A_156, %parallel_loop3A_157], %parallel_loop3A_152 {strides = array<i32>} : memref<32x3200xf32, #tpu.memory_space<vmem>>, vector<16xf32>,
      %parallel_loop3A_159 = arith.constant 14 : i32
      %parallel_loop3A_160 = vector.broadcast %parallel_loop3A_159 : i32 to vector<16xi32>
      %parallel_loop3A_161 = arith.addi %parallel_loop3A_18, %parallel_loop3A_160 : vector<16xi32>
      %parallel_loop3A_162 = tpu.vector_load_idx %arg6[%parallel_loop3A_161] : memref<3232xf32, #tpu.memory_space<vmem>>[vector<16xi32>], vector<16xf32>,
      %parallel_loop3A_163 = arith.constant 16 : i32
      %parallel_loop3A_164 = arith.muli %parallel_loop3A_11, %parallel_loop3A_163 : i32
      %parallel_loop3A_165 = arith.constant 14 : i32
      %parallel_loop3A_166 = arith.index_cast %parallel_loop3A_165 : i32 to index
      %parallel_loop3A_167 = arith.index_cast %parallel_loop3A_164 : i32 to index
      %parallel_loop3A_168 = tpu.vector_load %arg7[%parallel_loop3A_166, %parallel_loop3A_167] {strides = array<i32>} : memref<32x3200xf32, #tpu.memory_space<vmem>>, vector<16xf32>,
      tpu.vector_store %arg7[%parallel_loop3A_166, %parallel_loop3A_167], %parallel_loop3A_162 {strides = array<i32>} : memref<32x3200xf32, #tpu.memory_space<vmem>>, vector<16xf32>,
      %parallel_loop3A_169 = arith.constant 15 : i32
      %parallel_loop3A_170 = vector.broadcast %parallel_loop3A_169 : i32 to vector<16xi32>
      %parallel_loop3A_171 = arith.addi %parallel_loop3A_18, %parallel_loop3A_170 : vector<16xi32>
      %parallel_loop3A_172 = tpu.vector_load_idx %arg6[%parallel_loop3A_171] : memref<3232xf32, #tpu.memory_space<vmem>>[vector<16xi32>], vector<16xf32>,
      %parallel_loop3A_173 = arith.constant 16 : i32
      %parallel_loop3A_174 = arith.muli %parallel_loop3A_11, %parallel_loop3A_173 : i32
      %parallel_loop3A_175 = arith.constant 15 : i32
      %parallel_loop3A_176 = arith.index_cast %parallel_loop3A_175 : i32 to index
      %parallel_loop3A_177 = arith.index_cast %parallel_loop3A_174 : i32 to index
      %parallel_loop3A_178 = tpu.vector_load %arg7[%parallel_loop3A_176, %parallel_loop3A_177] {strides = array<i32>} : memref<32x3200xf32, #tpu.memory_space<vmem>>, vector<16xf32>,
      tpu.vector_store %arg7[%parallel_loop3A_176, %parallel_loop3A_177], %parallel_loop3A_172 {strides = array<i32>} : memref<32x3200xf32, #tpu.memory_space<vmem>>, vector<16xf32>,
      %parallel_loop3A_179 = arith.constant 16 : i32
      %parallel_loop3A_180 = vector.broadcast %parallel_loop3A_179 : i32 to vector<16xi32>
      %parallel_loop3A_181 = arith.addi %parallel_loop3A_18, %parallel_loop3A_180 : vector<16xi32>
      %parallel_loop3A_182 = tpu.vector_load_idx %arg6[%parallel_loop3A_181] : memref<3232xf32, #tpu.memory_space<vmem>>[vector<16xi32>], vector<16xf32>,
      %parallel_loop3A_183 = arith.constant 16 : i32
      %parallel_loop3A_184 = arith.muli %parallel_loop3A_11, %parallel_loop3A_183 : i32
      %parallel_loop3A_185 = arith.constant 16 : i32
      %parallel_loop3A_186 = arith.index_cast %parallel_loop3A_185 : i32 to index
      %parallel_loop3A_187 = arith.index_cast %parallel_loop3A_184 : i32 to index
      %parallel_loop3A_188 = tpu.vector_load %arg7[%parallel_loop3A_186, %parallel_loop3A_187] {strides = array<i32>} : memref<32x3200xf32, #tpu.memory_space<vmem>>, vector<16xf32>,
      tpu.vector_store %arg7[%parallel_loop3A_186, %parallel_loop3A_187], %parallel_loop3A_182 {strides = array<i32>} : memref<32x3200xf32, #tpu.memory_space<vmem>>, vector<16xf32>,
      %parallel_loop3A_189 = arith.constant 17 : i32
      %parallel_loop3A_190 = vector.broadcast %parallel_loop3A_189 : i32 to vector<16xi32>
      %parallel_loop3A_191 = arith.addi %parallel_loop3A_18, %parallel_loop3A_190 : vector<16xi32>
      %parallel_loop3A_192 = tpu.vector_load_idx %arg6[%parallel_loop3A_191] : memref<3232xf32, #tpu.memory_space<vmem>>[vector<16xi32>], vector<16xf32>,
      %parallel_loop3A_193 = arith.constant 16 : i32
      %parallel_loop3A_194 = arith.muli %parallel_loop3A_11, %parallel_loop3A_193 : i32
      %parallel_loop3A_195 = arith.constant 17 : i32
      %parallel_loop3A_196 = arith.index_cast %parallel_loop3A_195 : i32 to index
      %parallel_loop3A_197 = arith.index_cast %parallel_loop3A_194 : i32 to index
      %parallel_loop3A_198 = tpu.vector_load %arg7[%parallel_loop3A_196, %parallel_loop3A_197] {strides = array<i32>} : memref<32x3200xf32, #tpu.memory_space<vmem>>, vector<16xf32>,
      tpu.vector_store %arg7[%parallel_loop3A_196, %parallel_loop3A_197], %parallel_loop3A_192 {strides = array<i32>} : memref<32x3200xf32, #tpu.memory_space<vmem>>, vector<16xf32>,
      %parallel_loop3A_199 = arith.constant 18 : i32
      %parallel_loop3A_200 = vector.broadcast %parallel_loop3A_199 : i32 to vector<16xi32>
      %parallel_loop3A_201 = arith.addi %parallel_loop3A_18, %parallel_loop3A_200 : vector<16xi32>
      %parallel_loop3A_202 = tpu.vector_load_idx %arg6[%parallel_loop3A_201] : memref<3232xf32, #tpu.memory_space<vmem>>[vector<16xi32>], vector<16xf32>,
      %parallel_loop3A_203 = arith.constant 16 : i32
      %parallel_loop3A_204 = arith.muli %parallel_loop3A_11, %parallel_loop3A_203 : i32
      %parallel_loop3A_205 = arith.constant 18 : i32
      %parallel_loop3A_206 = arith.index_cast %parallel_loop3A_205 : i32 to index
      %parallel_loop3A_207 = arith.index_cast %parallel_loop3A_204 : i32 to index
      %parallel_loop3A_208 = tpu.vector_load %arg7[%parallel_loop3A_206, %parallel_loop3A_207] {strides = array<i32>} : memref<32x3200xf32, #tpu.memory_space<vmem>>, vector<16xf32>,
      tpu.vector_store %arg7[%parallel_loop3A_206, %parallel_loop3A_207], %parallel_loop3A_202 {strides = array<i32>} : memref<32x3200xf32, #tpu.memory_space<vmem>>, vector<16xf32>,
      %parallel_loop3A_209 = arith.constant 19 : i32
      %parallel_loop3A_210 = vector.broadcast %parallel_loop3A_209 : i32 to vector<16xi32>
      %parallel_loop3A_211 = arith.addi %parallel_loop3A_18, %parallel_loop3A_210 : vector<16xi32>
      %parallel_loop3A_212 = tpu.vector_load_idx %arg6[%parallel_loop3A_211] : memref<3232xf32, #tpu.memory_space<vmem>>[vector<16xi32>], vector<16xf32>,
      %parallel_loop3A_213 = arith.constant 16 : i32
      %parallel_loop3A_214 = arith.muli %parallel_loop3A_11, %parallel_loop3A_213 : i32
      %parallel_loop3A_215 = arith.constant 19 : i32
      %parallel_loop3A_216 = arith.index_cast %parallel_loop3A_215 : i32 to index
      %parallel_loop3A_217 = arith.index_cast %parallel_loop3A_214 : i32 to index
      %parallel_loop3A_218 = tpu.vector_load %arg7[%parallel_loop3A_216, %parallel_loop3A_217] {strides = array<i32>} : memref<32x3200xf32, #tpu.memory_space<vmem>>, vector<16xf32>,
      tpu.vector_store %arg7[%parallel_loop3A_216, %parallel_loop3A_217], %parallel_loop3A_212 {strides = array<i32>} : memref<32x3200xf32, #tpu.memory_space<vmem>>, vector<16xf32>,
      %parallel_loop3A_219 = arith.constant 20 : i32
      %parallel_loop3A_220 = vector.broadcast %parallel_loop3A_219 : i32 to vector<16xi32>
      %parallel_loop3A_221 = arith.addi %parallel_loop3A_18, %parallel_loop3A_220 : vector<16xi32>
      %parallel_loop3A_222 = tpu.vector_load_idx %arg6[%parallel_loop3A_221] : memref<3232xf32, #tpu.memory_space<vmem>>[vector<16xi32>], vector<16xf32>,
      %parallel_loop3A_223 = arith.constant 16 : i32
      %parallel_loop3A_224 = arith.muli %parallel_loop3A_11, %parallel_loop3A_223 : i32
      %parallel_loop3A_225 = arith.constant 20 : i32
      %parallel_loop3A_226 = arith.index_cast %parallel_loop3A_225 : i32 to index
      %parallel_loop3A_227 = arith.index_cast %parallel_loop3A_224 : i32 to index
      %parallel_loop3A_228 = tpu.vector_load %arg7[%parallel_loop3A_226, %parallel_loop3A_227] {strides = array<i32>} : memref<32x3200xf32, #tpu.memory_space<vmem>>, vector<16xf32>,
      tpu.vector_store %arg7[%parallel_loop3A_226, %parallel_loop3A_227], %parallel_loop3A_222 {strides = array<i32>} : memref<32x3200xf32, #tpu.memory_space<vmem>>, vector<16xf32>,
      %parallel_loop3A_229 = arith.constant 21 : i32
      %parallel_loop3A_230 = vector.broadcast %parallel_loop3A_229 : i32 to vector<16xi32>
      %parallel_loop3A_231 = arith.addi %parallel_loop3A_18, %parallel_loop3A_230 : vector<16xi32>
      %parallel_loop3A_232 = tpu.vector_load_idx %arg6[%parallel_loop3A_231] : memref<3232xf32, #tpu.memory_space<vmem>>[vector<16xi32>], vector<16xf32>,
      %parallel_loop3A_233 = arith.constant 16 : i32
      %parallel_loop3A_234 = arith.muli %parallel_loop3A_11, %parallel_loop3A_233 : i32
      %parallel_loop3A_235 = arith.constant 21 : i32
      %parallel_loop3A_236 = arith.index_cast %parallel_loop3A_235 : i32 to index
      %parallel_loop3A_237 = arith.index_cast %parallel_loop3A_234 : i32 to index
      %parallel_loop3A_238 = tpu.vector_load %arg7[%parallel_loop3A_236, %parallel_loop3A_237] {strides = array<i32>} : memref<32x3200xf32, #tpu.memory_space<vmem>>, vector<16xf32>,
      tpu.vector_store %arg7[%parallel_loop3A_236, %parallel_loop3A_237], %parallel_loop3A_232 {strides = array<i32>} : memref<32x3200xf32, #tpu.memory_space<vmem>>, vector<16xf32>,
      %parallel_loop3A_239 = arith.constant 22 : i32
      %parallel_loop3A_240 = vector.broadcast %parallel_loop3A_239 : i32 to vector<16xi32>
      %parallel_loop3A_241 = arith.addi %parallel_loop3A_18, %parallel_loop3A_240 : vector<16xi32>
      %parallel_loop3A_242 = tpu.vector_load_idx %arg6[%parallel_loop3A_241] : memref<3232xf32, #tpu.memory_space<vmem>>[vector<16xi32>], vector<16xf32>,
      %parallel_loop3A_243 = arith.constant 16 : i32
      %parallel_loop3A_244 = arith.muli %parallel_loop3A_11, %parallel_loop3A_243 : i32
      %parallel_loop3A_245 = arith.constant 22 : i32
      %parallel_loop3A_246 = arith.index_cast %parallel_loop3A_245 : i32 to index
      %parallel_loop3A_247 = arith.index_cast %parallel_loop3A_244 : i32 to index
      %parallel_loop3A_248 = tpu.vector_load %arg7[%parallel_loop3A_246, %parallel_loop3A_247] {strides = array<i32>} : memref<32x3200xf32, #tpu.memory_space<vmem>>, vector<16xf32>,
      tpu.vector_store %arg7[%parallel_loop3A_246, %parallel_loop3A_247], %parallel_loop3A_242 {strides = array<i32>} : memref<32x3200xf32, #tpu.memory_space<vmem>>, vector<16xf32>,
      %parallel_loop3A_249 = arith.constant 23 : i32
      %parallel_loop3A_250 = vector.broadcast %parallel_loop3A_249 : i32 to vector<16xi32>
      %parallel_loop3A_251 = arith.addi %parallel_loop3A_18, %parallel_loop3A_250 : vector<16xi32>
      %parallel_loop3A_252 = tpu.vector_load_idx %arg6[%parallel_loop3A_251] : memref<3232xf32, #tpu.memory_space<vmem>>[vector<16xi32>], vector<16xf32>,
      %parallel_loop3A_253 = arith.constant 16 : i32
      %parallel_loop3A_254 = arith.muli %parallel_loop3A_11, %parallel_loop3A_253 : i32
      %parallel_loop3A_255 = arith.constant 23 : i32
      %parallel_loop3A_256 = arith.index_cast %parallel_loop3A_255 : i32 to index
      %parallel_loop3A_257 = arith.index_cast %parallel_loop3A_254 : i32 to index
      %parallel_loop3A_258 = tpu.vector_load %arg7[%parallel_loop3A_256, %parallel_loop3A_257] {strides = array<i32>} : memref<32x3200xf32, #tpu.memory_space<vmem>>, vector<16xf32>,
      tpu.vector_store %arg7[%parallel_loop3A_256, %parallel_loop3A_257], %parallel_loop3A_252 {strides = array<i32>} : memref<32x3200xf32, #tpu.memory_space<vmem>>, vector<16xf32>,
      %parallel_loop3A_259 = arith.constant 24 : i32
      %parallel_loop3A_260 = vector.broadcast %parallel_loop3A_259 : i32 to vector<16xi32>
      %parallel_loop3A_261 = arith.addi %parallel_loop3A_18, %parallel_loop3A_260 : vector<16xi32>
      %parallel_loop3A_262 = tpu.vector_load_idx %arg6[%parallel_loop3A_261] : memref<3232xf32, #tpu.memory_space<vmem>>[vector<16xi32>], vector<16xf32>,
      %parallel_loop3A_263 = arith.constant 16 : i32
      %parallel_loop3A_264 = arith.muli %parallel_loop3A_11, %parallel_loop3A_263 : i32
      %parallel_loop3A_265 = arith.constant 24 : i32
      %parallel_loop3A_266 = arith.index_cast %parallel_loop3A_265 : i32 to index
      %parallel_loop3A_267 = arith.index_cast %parallel_loop3A_264 : i32 to index
      %parallel_loop3A_268 = tpu.vector_load %arg7[%parallel_loop3A_266, %parallel_loop3A_267] {strides = array<i32>} : memref<32x3200xf32, #tpu.memory_space<vmem>>, vector<16xf32>,
      tpu.vector_store %arg7[%parallel_loop3A_266, %parallel_loop3A_267], %parallel_loop3A_262 {strides = array<i32>} : memref<32x3200xf32, #tpu.memory_space<vmem>>, vector<16xf32>,
      %parallel_loop3A_269 = arith.constant 25 : i32
      %parallel_loop3A_270 = vector.broadcast %parallel_loop3A_269 : i32 to vector<16xi32>
      %parallel_loop3A_271 = arith.addi %parallel_loop3A_18, %parallel_loop3A_270 : vector<16xi32>
      %parallel_loop3A_272 = tpu.vector_load_idx %arg6[%parallel_loop3A_271] : memref<3232xf32, #tpu.memory_space<vmem>>[vector<16xi32>], vector<16xf32>,
      %parallel_loop3A_273 = arith.constant 16 : i32
      %parallel_loop3A_274 = arith.muli %parallel_loop3A_11, %parallel_loop3A_273 : i32
      %parallel_loop3A_275 = arith.constant 25 : i32
      %parallel_loop3A_276 = arith.index_cast %parallel_loop3A_275 : i32 to index
      %parallel_loop3A_277 = arith.index_cast %parallel_loop3A_274 : i32 to index
      %parallel_loop3A_278 = tpu.vector_load %arg7[%parallel_loop3A_276, %parallel_loop3A_277] {strides = array<i32>} : memref<32x3200xf32, #tpu.memory_space<vmem>>, vector<16xf32>,
      tpu.vector_store %arg7[%parallel_loop3A_276, %parallel_loop3A_277], %parallel_loop3A_272 {strides = array<i32>} : memref<32x3200xf32, #tpu.memory_space<vmem>>, vector<16xf32>,
      %parallel_loop3A_279 = arith.constant 26 : i32
      %parallel_loop3A_280 = vector.broadcast %parallel_loop3A_279 : i32 to vector<16xi32>
      %parallel_loop3A_281 = arith.addi %parallel_loop3A_18, %parallel_loop3A_280 : vector<16xi32>
      %parallel_loop3A_282 = tpu.vector_load_idx %arg6[%parallel_loop3A_281] : memref<3232xf32, #tpu.memory_space<vmem>>[vector<16xi32>], vector<16xf32>,
      %parallel_loop3A_283 = arith.constant 16 : i32
      %parallel_loop3A_284 = arith.muli %parallel_loop3A_11, %parallel_loop3A_283 : i32
      %parallel_loop3A_285 = arith.constant 26 : i32
      %parallel_loop3A_286 = arith.index_cast %parallel_loop3A_285 : i32 to index
      %parallel_loop3A_287 = arith.index_cast %parallel_loop3A_284 : i32 to index
      %parallel_loop3A_288 = tpu.vector_load %arg7[%parallel_loop3A_286, %parallel_loop3A_287] {strides = array<i32>} : memref<32x3200xf32, #tpu.memory_space<vmem>>, vector<16xf32>,
      tpu.vector_store %arg7[%parallel_loop3A_286, %parallel_loop3A_287], %parallel_loop3A_282 {strides = array<i32>} : memref<32x3200xf32, #tpu.memory_space<vmem>>, vector<16xf32>,
      %parallel_loop3A_289 = arith.constant 27 : i32
      %parallel_loop3A_290 = vector.broadcast %parallel_loop3A_289 : i32 to vector<16xi32>
      %parallel_loop3A_291 = arith.addi %parallel_loop3A_18, %parallel_loop3A_290 : vector<16xi32>
      %parallel_loop3A_292 = tpu.vector_load_idx %arg6[%parallel_loop3A_291] : memref<3232xf32, #tpu.memory_space<vmem>>[vector<16xi32>], vector<16xf32>,
      %parallel_loop3A_293 = arith.constant 16 : i32
      %parallel_loop3A_294 = arith.muli %parallel_loop3A_11, %parallel_loop3A_293 : i32
      %parallel_loop3A_295 = arith.constant 27 : i32
      %parallel_loop3A_296 = arith.index_cast %parallel_loop3A_295 : i32 to index
      %parallel_loop3A_297 = arith.index_cast %parallel_loop3A_294 : i32 to index
      %parallel_loop3A_298 = tpu.vector_load %arg7[%parallel_loop3A_296, %parallel_loop3A_297] {strides = array<i32>} : memref<32x3200xf32, #tpu.memory_space<vmem>>, vector<16xf32>,
      tpu.vector_store %arg7[%parallel_loop3A_296, %parallel_loop3A_297], %parallel_loop3A_292 {strides = array<i32>} : memref<32x3200xf32, #tpu.memory_space<vmem>>, vector<16xf32>,
      %parallel_loop3A_299 = arith.constant 28 : i32
      %parallel_loop3A_300 = vector.broadcast %parallel_loop3A_299 : i32 to vector<16xi32>
      %parallel_loop3A_301 = arith.addi %parallel_loop3A_18, %parallel_loop3A_300 : vector<16xi32>
      %parallel_loop3A_302 = tpu.vector_load_idx %arg6[%parallel_loop3A_301] : memref<3232xf32, #tpu.memory_space<vmem>>[vector<16xi32>], vector<16xf32>,
      %parallel_loop3A_303 = arith.constant 16 : i32
      %parallel_loop3A_304 = arith.muli %parallel_loop3A_11, %parallel_loop3A_303 : i32
      %parallel_loop3A_305 = arith.constant 28 : i32
      %parallel_loop3A_306 = arith.index_cast %parallel_loop3A_305 : i32 to index
      %parallel_loop3A_307 = arith.index_cast %parallel_loop3A_304 : i32 to index
      %parallel_loop3A_308 = tpu.vector_load %arg7[%parallel_loop3A_306, %parallel_loop3A_307] {strides = array<i32>} : memref<32x3200xf32, #tpu.memory_space<vmem>>, vector<16xf32>,
      tpu.vector_store %arg7[%parallel_loop3A_306, %parallel_loop3A_307], %parallel_loop3A_302 {strides = array<i32>} : memref<32x3200xf32, #tpu.memory_space<vmem>>, vector<16xf32>,
      %parallel_loop3A_309 = arith.constant 29 : i32
      %parallel_loop3A_310 = vector.broadcast %parallel_loop3A_309 : i32 to vector<16xi32>
      %parallel_loop3A_311 = arith.addi %parallel_loop3A_18, %parallel_loop3A_310 : vector<16xi32>
      %parallel_loop3A_312 = tpu.vector_load_idx %arg6[%parallel_loop3A_311] : memref<3232xf32, #tpu.memory_space<vmem>>[vector<16xi32>], vector<16xf32>,
      %parallel_loop3A_313 = arith.constant 16 : i32
      %parallel_loop3A_314 = arith.muli %parallel_loop3A_11, %parallel_loop3A_313 : i32
      %parallel_loop3A_315 = arith.constant 29 : i32
      %parallel_loop3A_316 = arith.index_cast %parallel_loop3A_315 : i32 to index
      %parallel_loop3A_317 = arith.index_cast %parallel_loop3A_314 : i32 to index
      %parallel_loop3A_318 = tpu.vector_load %arg7[%parallel_loop3A_316, %parallel_loop3A_317] {strides = array<i32>} : memref<32x3200xf32, #tpu.memory_space<vmem>>, vector<16xf32>,
      tpu.vector_store %arg7[%parallel_loop3A_316, %parallel_loop3A_317], %parallel_loop3A_312 {strides = array<i32>} : memref<32x3200xf32, #tpu.memory_space<vmem>>, vector<16xf32>,
      %parallel_loop3A_319 = arith.constant 30 : i32
      %parallel_loop3A_320 = vector.broadcast %parallel_loop3A_319 : i32 to vector<16xi32>
      %parallel_loop3A_321 = arith.addi %parallel_loop3A_18, %parallel_loop3A_320 : vector<16xi32>
      %parallel_loop3A_322 = tpu.vector_load_idx %arg6[%parallel_loop3A_321] : memref<3232xf32, #tpu.memory_space<vmem>>[vector<16xi32>], vector<16xf32>,
      %parallel_loop3A_323 = arith.constant 16 : i32
      %parallel_loop3A_324 = arith.muli %parallel_loop3A_11, %parallel_loop3A_323 : i32
      %parallel_loop3A_325 = arith.constant 30 : i32
      %parallel_loop3A_326 = arith.index_cast %parallel_loop3A_325 : i32 to index
      %parallel_loop3A_327 = arith.index_cast %parallel_loop3A_324 : i32 to index
      %parallel_loop3A_328 = tpu.vector_load %arg7[%parallel_loop3A_326, %parallel_loop3A_327] {strides = array<i32>} : memref<32x3200xf32, #tpu.memory_space<vmem>>, vector<16xf32>,
      tpu.vector_store %arg7[%parallel_loop3A_326, %parallel_loop3A_327], %parallel_loop3A_322 {strides = array<i32>} : memref<32x3200xf32, #tpu.memory_space<vmem>>, vector<16xf32>,
      %parallel_loop3A_329 = arith.constant 31 : i32
      %parallel_loop3A_330 = vector.broadcast %parallel_loop3A_329 : i32 to vector<16xi32>
      %parallel_loop3A_331 = arith.addi %parallel_loop3A_18, %parallel_loop3A_330 : vector<16xi32>
      %parallel_loop3A_332 = tpu.vector_load_idx %arg6[%parallel_loop3A_331] : memref<3232xf32, #tpu.memory_space<vmem>>[vector<16xi32>], vector<16xf32>,
      %parallel_loop3A_333 = arith.constant 16 : i32
      %parallel_loop3A_334 = arith.muli %parallel_loop3A_11, %parallel_loop3A_333 : i32
      %parallel_loop3A_335 = arith.constant 31 : i32
      %parallel_loop3A_336 = arith.index_cast %parallel_loop3A_335 : i32 to index
      %parallel_loop3A_337 = arith.index_cast %parallel_loop3A_334 : i32 to index
      %parallel_loop3A_338 = tpu.vector_load %arg7[%parallel_loop3A_336, %parallel_loop3A_337] {strides = array<i32>} : memref<32x3200xf32, #tpu.memory_space<vmem>>, vector<16xf32>,
      tpu.vector_store %arg7[%parallel_loop3A_336, %parallel_loop3A_337], %parallel_loop3A_332 {strides = array<i32>} : memref<32x3200xf32, #tpu.memory_space<vmem>>, vector<16xf32>,
    } {sc.loop_unroll_factor = 4 : i64, sc.parallel_access}
    %lt3A = arith.constant 31 : i32
    %lt3A_5 = arith.cmpi slt, %add3A, %lt3A : i32
    %convert_element_type3A = arith.extui %lt3A_5 : i1 to i32
    %cond3A = arith.constant 0 : i32
    %cond3A_6 = arith.cmpi ne, %convert_element_type3A, %cond3A : i32
    scf.if %cond3A_6 {
      "tpu.region"() ({
        %run_scoped3A = tpu.sem_alloc : memref<!tpu.dma_semaphore, #tpu.memory_space<semaphore_mem>>
        %dma_start3A = arith.constant 0 : i32
        %dma_start3A_11 = tpu.memref_slice %arg4[%dma_start3A, %mul3A_2] : memref<32x100096xf32, #tpu.memory_space<hbm>> -> memref<32x3200xf32, #tpu.memory_space<hbm>>
        %dma_start3A_12 = arith.constant 0 : i32
        %dma_start3A_13 = tpu.memref_slice %arg4[%dma_start3A_12, %mul3A_2] : memref<32x100096xf32, #tpu.memory_space<hbm>> -> memref<32x3200xf32, #tpu.memory_space<hbm>>
        tpu.enqueue_dma source(%arg7 : memref<32x3200xf32, #tpu.memory_space<vmem>>) target(%dma_start3A_13 : memref<32x3200xf32, #tpu.memory_space<hbm>>) target_semaphore(%run_scoped3A : memref<!tpu.dma_semaphore, #tpu.memory_space<semaphore_mem>>)
        %dma_wait3A = arith.constant 0 : i32
        %dma_wait3A_14 = tpu.memref_slice %arg4[%dma_wait3A, %mul3A_2] : memref<32x100096xf32, #tpu.memory_space<hbm>> -> memref<32x3200xf32, #tpu.memory_space<hbm>>
        %dma_wait3A_15 = arith.constant 0 : i32
        %dma_wait3A_16 = tpu.memref_slice %arg4[%dma_wait3A_15, %mul3A_2] : memref<32x100096xf32, #tpu.memory_space<hbm>> -> memref<32x3200xf32, #tpu.memory_space<hbm>>
        tpu.wait_dma2 semaphore(%run_scoped3A : memref<!tpu.dma_semaphore, #tpu.memory_space<semaphore_mem>>) src(%arg7 : memref<32x3200xf32, #tpu.memory_space<vmem>>) dst(%dma_wait3A_16 : memref<32x3200xf32, #tpu.memory_space<hbm>>)
        tpu.yield
      }) : () -> ()
    } else {
    }
    %eq3A = arith.constant 31 : i32
    %eq3A_7 = arith.cmpi eq, %add3A, %eq3A : i32
    %convert_element_type3A_8 = arith.extui %eq3A_7 : i1 to i32
    %cond3A_9 = arith.constant 0 : i32
    %cond3A_10 = arith.cmpi ne, %convert_element_type3A_8, %cond3A_9 : i32
    scf.if %cond3A_10 {
      "tpu.region"() ({
        %run_scoped3A = tpu.sem_alloc : memref<!tpu.dma_semaphore, #tpu.memory_space<semaphore_mem>>
        %dma_start3A = arith.constant 0 : i32
        %dma_start3A_11 = arith.constant 0 : i32
        %dma_start3A_12 = tpu.memref_slice %arg7[%dma_start3A, %dma_start3A_11] : memref<32x3200xf32, #tpu.memory_space<vmem>> -> memref<32x896xf32, #tpu.memory_space<vmem>>
        %dma_start3A_13 = arith.constant 0 : i32
        %dma_start3A_14 = tpu.memref_slice %arg4[%dma_start3A_13, %mul3A_2] : memref<32x100096xf32, #tpu.memory_space<hbm>> -> memref<32x896xf32, #tpu.memory_space<hbm>>
        %dma_start3A_15 = arith.constant 0 : i32
        %dma_start3A_16 = tpu.memref_slice %arg4[%dma_start3A_15, %mul3A_2] : memref<32x100096xf32, #tpu.memory_space<hbm>> -> memref<32x896xf32, #tpu.memory_space<hbm>>
        %dma_start3A_17 = arith.constant 0 : i32
        %dma_start3A_18 = arith.constant 0 : i32
        %dma_start3A_19 = tpu.memref_slice %arg7[%dma_start3A_17, %dma_start3A_18] : memref<32x3200xf32, #tpu.memory_space<vmem>> -> memref<32x896xf32, #tpu.memory_space<vmem>>
        tpu.enqueue_dma source(%dma_start3A_19 : memref<32x896xf32, #tpu.memory_space<vmem>>) target(%dma_start3A_16 : memref<32x896xf32, #tpu.memory_space<hbm>>) target_semaphore(%run_scoped3A : memref<!tpu.dma_semaphore, #tpu.memory_space<semaphore_mem>>)
        %dma_wait3A = arith.constant 0 : i32
        %dma_wait3A_20 = arith.constant 0 : i32
        %dma_wait3A_21 = tpu.memref_slice %arg7[%dma_wait3A, %dma_wait3A_20] : memref<32x3200xf32, #tpu.memory_space<vmem>> -> memref<32x896xf32, #tpu.memory_space<vmem>>
        %dma_wait3A_22 = arith.constant 0 : i32
        %dma_wait3A_23 = tpu.memref_slice %arg4[%dma_wait3A_22, %mul3A_2] : memref<32x100096xf32, #tpu.memory_space<hbm>> -> memref<32x896xf32, #tpu.memory_space<hbm>>
        %dma_wait3A_24 = arith.constant 0 : i32
        %dma_wait3A_25 = tpu.memref_slice %arg4[%dma_wait3A_24, %mul3A_2] : memref<32x100096xf32, #tpu.memory_space<hbm>> -> memref<32x896xf32, #tpu.memory_space<hbm>>
        %dma_wait3A_26 = arith.constant 0 : i32
        %dma_wait3A_27 = arith.constant 0 : i32
        %dma_wait3A_28 = tpu.memref_slice %arg7[%dma_wait3A_26, %dma_wait3A_27] : memref<32x3200xf32, #tpu.memory_space<vmem>> -> memref<32x896xf32, #tpu.memory_space<vmem>>
        tpu.wait_dma2 semaphore(%run_scoped3A : memref<!tpu.dma_semaphore, #tpu.memory_space<semaphore_mem>>) src(%dma_wait3A_28 : memref<32x896xf32, #tpu.memory_space<vmem>>) dst(%dma_wait3A_25 : memref<32x896xf32, #tpu.memory_space<hbm>>)
        tpu.yield
      }) : () -> ()
    } else {
    }
    return
  }
}

module attributes {stable_mosaic.version = 14 : i64} {
  func.func @_rbf_body(%arg0: i32, %arg1: memref<1x1x160000xf32, #tpu.memory_space<vmem>>, %arg2: memref<16x160000xf32, #tpu.memory_space<vmem>>, %arg3: memref<1x1x160000xf32, #tpu.memory_space<vmem>>) attributes {dimension_semantics = [#tpu.dimension_semantics<arbitrary>], iteration_bounds = array<i64: 20>, scalar_prefetch = 0 : i64, scratch_operands = 0 : i64, tpu.core_type = #tpu.core_type<tc>, window_params = [{transform_indices = @transform_0, window_bounds = array<i64: 1, 1, 160000>}, {transform_indices = @transform_1, window_bounds = array<i64: 16, 160000>}, {transform_indices = @transform_2, window_bounds = array<i64: 1, 1, 160000>}]} {
    %get3A = arith.constant 0 : index
    %get3A_0 = arith.constant 0 : index
    %get3A_1 = arith.constant 0 : index
    %get3A_2 = vector.load %arg1[%get3A, %get3A_0, %get3A_1] : memref<1x1x160000xf32, #tpu.memory_space<vmem>>, vector<1x1x160000xf32>
    %reshape3A = vector.shape_cast %get3A_2 : vector<1x1x160000xf32> to vector<1x160000xf32>
    %mul3A = arith.constant 3.000000e+00 : f32
    %mul3A_3 = vector.broadcast %mul3A : f32 to vector<1x160000xf32>
    %mul3A_4 = arith.mulf %reshape3A, %mul3A_3 : vector<1x160000xf32>
    %tile3A = tpu.concatenate %mul3A_4, %mul3A_4, %mul3A_4, %mul3A_4, %mul3A_4, %mul3A_4, %mul3A_4, %mul3A_4, %mul3A_4, %mul3A_4, %mul3A_4, %mul3A_4, %mul3A_4, %mul3A_4, %mul3A_4, %mul3A_4 in 0 : vector<1x160000xf32>, vector<1x160000xf32>, vector<1x160000xf32>, vector<1x160000xf32>, vector<1x160000xf32>, vector<1x160000xf32>, vector<1x160000xf32>, vector<1x160000xf32>, vector<1x160000xf32>, vector<1x160000xf32>, vector<1x160000xf32>, vector<1x160000xf32>, vector<1x160000xf32>, vector<1x160000xf32>, vector<1x160000xf32>, vector<1x160000xf32> -> vector<16x160000xf32>
    %iota3A = tpu.iota {dimensions = array<i32: 0>} : vector<16x160000xi32>
    %convert_element_type3A = arith.sitofp %iota3A : vector<16x160000xi32> to vector<16x160000xf32>
    %sub3A = arith.subf %tile3A, %convert_element_type3A : vector<16x160000xf32>
    %mul3A_5 = arith.constant -0.72134751 : f32
    %mul3A_6 = vector.broadcast %mul3A_5 : f32 to vector<16x160000xf32>
    %mul3A_7 = arith.mulf %mul3A_6, %sub3A : vector<16x160000xf32>
    %mul3A_8 = arith.mulf %mul3A_7, %sub3A : vector<16x160000xf32>
    %exp23A = math.exp2 %mul3A_8 : vector<16x160000xf32>
    %swap3A = arith.constant 0 : index
    %swap3A_9 = arith.constant 0 : index
    %swap3A_10 = vector.load %arg2[%swap3A, %swap3A_9] : memref<16x160000xf32, #tpu.memory_space<vmem>>, vector<16x160000xf32>
    tpu.vector_store %arg2[%swap3A, %swap3A_9], %exp23A {strides = array<i32>} : memref<16x160000xf32, #tpu.memory_space<vmem>>, vector<16x160000xf32>,
    %mul3A_11 = arith.constant 0.314159274 : f32
    %mul3A_12 = vector.broadcast %mul3A_11 : f32 to vector<1x160000xf32>
    %mul3A_13 = arith.mulf %reshape3A, %mul3A_12 : vector<1x160000xf32>
    %mul3A_14 = arith.mulf %mul3A_13, %mul3A_13 : vector<1x160000xf32>
    %broadcast_in_dim3A = arith.constant -1.13628361E-4 : f32
    %broadcast_in_dim3A_15 = vector.broadcast %broadcast_in_dim3A : f32 to vector<1x160000xf32>
    %mul3A_16 = arith.mulf %broadcast_in_dim3A_15, %mul3A_14 : vector<1x160000xf32>
    %add3A = arith.constant 0.00310438429 : f32
    %add3A_17 = vector.broadcast %add3A : f32 to vector<1x160000xf32>
    %add3A_18 = arith.addf %mul3A_16, %add3A_17 : vector<1x160000xf32>
    %mul3A_19 = arith.mulf %add3A_18, %mul3A_14 : vector<1x160000xf32>
    %add3A_20 = arith.constant -0.0443607494 : f32
    %add3A_21 = vector.broadcast %add3A_20 : f32 to vector<1x160000xf32>
    %add3A_22 = arith.addf %mul3A_19, %add3A_21 : vector<1x160000xf32>
    %mul3A_23 = arith.mulf %add3A_22, %mul3A_14 : vector<1x160000xf32>
    %add3A_24 = arith.constant 0.333288223 : f32
    %add3A_25 = vector.broadcast %add3A_24 : f32 to vector<1x160000xf32>
    %add3A_26 = arith.addf %mul3A_23, %add3A_25 : vector<1x160000xf32>
    %mul3A_27 = arith.mulf %add3A_26, %mul3A_14 : vector<1x160000xf32>
    %add3A_28 = arith.constant -0.999991178 : f32
    %add3A_29 = vector.broadcast %add3A_28 : f32 to vector<1x160000xf32>
    %add3A_30 = arith.addf %mul3A_27, %add3A_29 : vector<1x160000xf32>
    %mul3A_31 = arith.mulf %add3A_30, %mul3A_14 : vector<1x160000xf32>
    %add3A_32 = arith.constant 0.999999701 : f32
    %add3A_33 = vector.broadcast %add3A_32 : f32 to vector<1x160000xf32>
    %add3A_34 = arith.addf %mul3A_31, %add3A_33 : vector<1x160000xf32>
    %lt3A = arith.constant 5.000000e+00 : f32
    %lt3A_35 = vector.broadcast %lt3A : f32 to vector<1x160000xf32>
    %lt3A_36 = arith.cmpf olt, %reshape3A, %lt3A_35 : vector<1x160000xf32>
    %jit3A = arith.constant 0.000000e+00 : f32
    %broadcast_in_dim3A_37 = vector.broadcast %jit3A : f32 to vector<1x160000xf32>
    %select_n3A = arith.select %lt3A_36, %add3A_34, %broadcast_in_dim3A_37 : vector<1x160000xi1>, vector<1x160000xf32>
    %reshape3A_38 = vector.shape_cast %select_n3A : vector<1x160000xf32> to vector<1x1x160000xf32>
    %swap3A_39 = arith.constant 0 : index
    %swap3A_40 = arith.constant 0 : index
    %swap3A_41 = arith.constant 0 : index
    %swap3A_42 = vector.load %arg3[%swap3A_39, %swap3A_40, %swap3A_41] : memref<1x1x160000xf32, #tpu.memory_space<vmem>>, vector<1x1x160000xf32>
    tpu.vector_store %arg3[%swap3A_39, %swap3A_40, %swap3A_41], %reshape3A_38 {strides = array<i32>} : memref<1x1x160000xf32, #tpu.memory_space<vmem>>, vector<1x1x160000xf32>,
    return
  }
  func.func @transform_0(%arg0: i32) -> (i32, i32, i32) {
    %c0_i32 = arith.constant 0 : i32
    %c0_i32_0 = arith.constant 0 : i32
    %c0_i32_1 = arith.constant 0 : i32
    return %arg0, %c0_i32, %c0_i32_0 : i32, i32, i32
  }
  func.func @transform_1(%arg0: i32) -> (i32, i32) {
    %c0_i32 = arith.constant 0 : i32
    %c0_i32_0 = arith.constant 0 : i32
    return %c0_i32, %arg0 : i32, i32
  }
  func.func @transform_2(%arg0: i32) -> (i32, i32, i32) {
    %c0_i32 = arith.constant 0 : i32
    %c0_i32_0 = arith.constant 0 : i32
    %c0_i32_1 = arith.constant 0 : i32
    return %arg0, %c0_i32, %c0_i32_0 : i32, i32, i32
  }
}

</mosaic_0001>

<sc_bundles>
// kernel: kernel.4.cloned.1.call-start
scs
__scs_entry_jumppad:
0x0: {  	(pc) =	sbr.rel $0x88, $3  }
0x1: {  	(tag) =	ssettag $0x0;
	lr =	simm.s32 $0x1  }
0x2: {  	[smem:$0x3F9E] =	sst lr;
	_ =	strace $0xD0000000  }
0x3: {  	_ = 	snop  }
0x4: {  	_ = 	snop  }
0x5: {  	_ = 	snop  }
0x6: {  	_ = 	snop  }
0x7: {  	_ = 	snop  }
__scs_overlays_trampoline_lowered:
0x8: {  	[smem:$0x3FAD] =	sst s0  }
0x9: {  	[smem:$0x3FAE] =	sst s1  }
0xa: {  	[smem:$0x3FAF] =	sst s2  }
0xb: {  	[smem:$0x3FB0] =	sst s3  }
0xc: {  	[smem:$0x3FB1] =	sst s4  }
0xd: {  	[smem:$0x3FB2] =	sst s5  }
0xe: {  	[smem:$0x3FB3] =	sst s6  }
0xf: {  	[smem:$0x3FB4] =	sst s7  }
0x10: {  	[smem:$0x3FB5] =	sst s8  }
0x11: {  	[smem:$0x3FB6] =	sst s9;
	s0 =	simm.s32 @!p0 $0x0  }
0x12: {  	s1 =	sld [smem:$0x3F9C];
	s0 =	simm.s32 @p0 $0x1  }
0x13: {  	[smem:$0x3FB7] =	sst s0;
	s0 =	simm.s32 @!p1 $0x0  }
0x14: {  	s2 =	sld [smem:$0x3F9B];
	s0 =	simm.s32 @p1 $0x1  }
0x15: {  	[smem:$0x3FB8] =	sst s0;
	s0 =	simm.s32 @!p2 $0x0  }
0x16: {  	s3 =	sld [smem:$0x3FDB];
	s0 =	simm.s32 @p2 $0x1  }
0x17: {  	s4 =	simm.s32 $0x1BF5;
	[smem:$0x3FBA] =	sst s0  }
0x18: {  	s0 =	sld [smem:$0x3F9D];
	_ =	swait.ge [sflag:s4], $0x0  }
0x19: {  	s7 =	sld [smem:$0x3F9E]  }
0x1a: {  	s8 =	sadd.s32 $0xFFFFE003, lr  }
0x1b: {  	s9 =	sadd.s32 $0xFFFFFEF7, lr;
	s5 =	simm.s32 $0xFFFFFFFF;
	p2 =	slt.u32 s8, $0xFFFFF086  }
0x1c: {  	p1 =	slt.u32 s9, $0xF7A;
	s5 =	simm.s32 @!p2 $0x0  }
0x1d: {  	s5 =	simm.s32 @p1 $0x1;
	p0 =	seq.s32 s7, s2  }
0x1e: {  	s7 =	smul.u32 @!p0 $0xF7A, s2;
	p2 =	seq.s32 @!p0 s5, $0x0  }
0x1f: {  	s9 =	smul.u32 $0xF7A, s1;
	s8 =	simm.s32 @!p0 $0x1BF5;
	p2 =	por !p2, p0  }
0x20: {  	[sflag:s8] =	ssyncset.s32 @!p0 $0xFFFFF086;
	s6 =	sadd.s32 @!p0 s3, s7;
	s7 =	simm.s32 @!p0 $0x108  }
0x21: {  	s3 =	sadd.s32 s3, s9;
	s6 =	sadd.s32 @!p0 $0x88, s6;
	s7 =	simm.s32 @p2 $0x1082  }
0x22: {  	[simem:s7], [sflag:s8] =	dma.local @!p0 [hbm:s6], $0xF7A  }
0x23: {  	s9 =	sor.u32 $0xD0000000, s2;
	s6 =	simm.s32 $0x108;
	_ =	swait.ge @!p0 [sflag:s8], $0x0  }
0x24: {  	s3 =	sadd.s32 $0x88, s3;
	s6 =	simm.s32 @!p1 $0x1082;
	[sflag:s4] =	ssyncset.s32 $0xFFFFF086  }
0x25: {  	[simem:s6], [sflag:s4] =	dma.local [hbm:s3], $0xF7A  }
0x26: {  	[smem:$0x3F9E] =	sst s1;
	(tag) =	ssettag s2;
	_ =	strace s9  }
0x27: {  	s1 =	sld [smem:$0x3FAE]  }
0x28: {  	s2 =	sld [smem:$0x3FAF]  }
0x29: {  	s4 =	sld [smem:$0x3FB1]  }
0x2a: {  	p0 =	seq.s32 s5, $0x0;
	s5 =	sld [smem:$0x3FB2]  }
0x2b: {  	s6 =	sld [smem:$0x3FB3]  }
0x2c: {  	s7 =	sld [smem:$0x3FB4]  }
0x2d: {  	s3 =	simm.s32 $0x108;
	s8 =	sld [smem:$0x3FB5]  }
0x2e: {  	s3 =	simm.s32 @!p0 $0x1082;
	s9 =	sld [smem:$0x3FB6]  }
0x2f: {  	lr =	sadd.s32 s0, s3;
	s0 =	sld [smem:$0x3FAD]  }
0x30: {  	s3 =	sld [smem:$0x3FB0]  }
0x31: {  	[smem:$0x3FB9] =	sst s10  }
0x32: {  	s10 =	sld [smem:$0x3FB7];
	_ =	sdelay $0x3  }
0x33: {  	p0 =	seq.s32 s10, $0x1;
	s10 =	sld [smem:$0x3FB9];
	_ =	sdelay $0x3  }
0x34: {  	[smem:$0x3FB9] =	sst s10  }
0x35: {  	s10 =	sld [smem:$0x3FB8];
	_ =	sdelay $0x3  }
0x36: {  	p1 =	seq.s32 s10, $0x1;
	s10 =	sld [smem:$0x3FB9];
	_ =	sdelay $0x3  }
0x37: {  	[smem:$0x3FB9] =	sst s10  }
0x38: {  	s10 =	sld [smem:$0x3FBA]  }
0x39: {  	_ = 	snop;
	(pc) =	sbr.ind lr, $3  }
0x3a: {  	_ = 	snop  }
0x3b: {  	_ = 	snop  }
0x3c: {  	p2 =	seq.s32 s10, $0x1;
	s10 =	sld [smem:$0x3FB9]  }
0x3d: {  	_ =	shalt  }
0x3e: {  	_ =	shalt  }
0x3f: {  	_ =	shalt  }
0x40: {  	_ =	shalt  }
0x41: {  	_ =	shalt  }
0x42: {  	_ =	shalt  }
0x43: {  	_ =	shalt  }
0x44: {  	_ =	shalt  }
0x45: {  	_ =	shalt  }
0x46: {  	_ =	shalt  }
0x47: {  	_ =	shalt  }
0x48: {  	_ =	shalt  }
0x49: {  	_ =	shalt  }
0x4a: {  	_ =	shalt  }
0x4b: {  	_ =	shalt  }
0x4c: {  	_ =	shalt  }
0x4d: {  	_ =	shalt  }
0x4e: {  	_ =	shalt  }
0x4f: {  	_ =	shalt  }
0x50: {  	_ =	shalt  }
0x51: {  	_ =	shalt  }
0x52: {  	_ =	shalt  }
0x53: {  	_ =	shalt  }
0x54: {  	_ =	shalt  }
0x55: {  	_ =	shalt  }
0x56: {  	_ =	shalt  }
0x57: {  	_ =	shalt  }
0x58: {  	_ =	shalt  }
0x59: {  	_ =	shalt  }
0x5a: {  	_ =	shalt  }
0x5b: {  	_ =	shalt  }
0x5c: {  	_ =	shalt  }
0x5d: {  	_ =	shalt  }
0x5e: {  	_ =	shalt  }
0x5f: {  	_ =	shalt  }
0x60: {  	_ =	shalt  }
0x61: {  	_ =	shalt  }
0x62: {  	_ =	shalt  }
0x63: {  	_ =	shalt  }
0x64: {  	_ =	shalt  }
0x65: {  	_ =	shalt  }
0x66: {  	_ =	shalt  }
0x67: {  	_ =	shalt  }
0x68: {  	_ =	shalt  }
0x69: {  	_ =	shalt  }
0x6a: {  	_ =	shalt  }
0x6b: {  	_ =	shalt  }
0x6c: {  	_ =	shalt  }
0x6d: {  	_ =	shalt  }
0x6e: {  	_ =	shalt  }
0x6f: {  	_ =	shalt  }
0x70: {  	_ =	shalt  }
0x71: {  	_ =	shalt  }
0x72: {  	_ =	shalt  }
0x73: {  	_ =	shalt  }
0x74: {  	_ =	shalt  }
0x75: {  	_ =	shalt  }
0x76: {  	_ =	shalt  }
0x77: {  	_ =	shalt  }
0x78: {  	_ =	shalt  }
0x79: {  	_ =	shalt  }
0x7a: {  	_ =	shalt  }
0x7b: {  	_ =	shalt  }
0x7c: {  	_ =	shalt  }
0x7d: {  	_ =	shalt  }
0x7e: {  	_ =	shalt  }
0x7f: {  	_ =	shalt  }
0x80: {  	_ =	shalt  }
0x81: {  	_ =	shalt  }
0x82: {  	_ =	shalt  }
0x83: {  	_ =	shalt  }
0x84: {  	_ =	shalt  }
0x85: {  	_ =	shalt  }
0x86: {  	_ =	shalt  }
0x87: {  	_ =	shalt  }
.Lfunc_end0:
.L_simem_size_0:
called_computation_lowered:
.L_overlay_start_0:
0x88: {  	s2 =	sld [smem:$0x3FD9]  }
0x89: {  	s3 =	sld [smem:$0x3FFE];
	_ =	sdelay $0x1  }
0x8a: {  	s1 =	srdreg.scid  }
0x8b: {  	s0 =	sand.u32 $0x1, s1  }
0x8c: {  	s14 =	sshll.u32 s0, $0xA;
	s2 =	sadd.s32 s3, s2  }
0x8d: {  	s2 =	sadd.s32 s2, s14  }
0x8e: {  	[smem:$0x3FC5] =	sst s2  }
0x8f: {  	_ = 	snop  }
0x90: {  	s2 =	sld [smem:$0x3FD0];
	_ =	sdelay $0x2  }
0x91: {  	s15 =	simm.s32 $0xA;
	s4 =	simm.s32 $0x10  }
0x92: {  	[smem:s4], [sflag:s15] =	dma.local [hbm:s2], $0x1  }
0x93: {  	_ =	swait.eq [sflag:s15], $0x1  }
0x94: {  	[sflag:s15] =	ssyncset.done $0x0  }
0x95: {  	[sflag:s15] =	ssyncadd.s32 $0xFFFFFFFF  }
0x96: {  	s16 =	sld [smem:$0x12];
	(tm) =	ssettm $0x1  }
0x97: {  	s17 =	sld [smem:$0x3FFB];
	_ =	sdelay $0x3  }
0x98: {  	_ =	strace s17  }
0x99: {  	s3 =	sld [smem:$0x3FFC];
	_ =	sdelay $0x3  }
0x9a: {  	_ =	strace s3  }
0x9b: {  	s3 =	sld [smem:$0x3FFD];
	_ =	sdelay $0x3  }
0x9c: {  	_ =	strace s3  }
0x9d: {  	_ =	strace $0x8FFFFFFF  }
0x9e: {  	s18 =	sld [smem:$0x3FDB];
	_ =	sdelay $0x1  }
0x9f: {  	s19 =	simm.s32 $_scs_section_size  }
0xa0: {  	s5 =	simm.s32 $_size__tile_overlayer_lowered;
	s6 =	simm.s32 $_tile_overlayer_lowered  }
0xa1: {  	s22 =	simm.s32 $0x1BFF;
	s21 =	sshll.u32 s6, $0x1;
	s3 =	sadd.s32 s19, s18  }
0xa2: {  	s7 =	simm.s32 $0x0;
	s20 =	sshll.u32 s5, $0x1;
	s5 =	sadd.s32 s21, s3  }
0xa3: {  	[timem:s7], [sflag:s22] =	dma.local [hbm:s5], s20  }
0xa4: {  	_ =	swait.ge [sflag:s22], s20  }
0xa5: {  	s4 =	ssub.s32 $0x0, s20;
	[sflag:s22] =	ssyncset.done $0x0  }
0xa6: {  	[sflag:s22] =	ssyncadd.s32 s4;
	_ =	sdelay $0x1  }
0xa7: {  	s23 =	simm.s32 $0x1B8B  }
0xa8: {  	_ =	swait.ge [sflag:s23], $0x1  }
0xa9: {  	[sflag:s23] =	ssyncset.done $0x0  }
0xaa: {  	s25 =	simm.s32 $0x1B8E;
	s24 =	sld [smem:$0x3FFE];
	[sflag:s23] =	ssyncadd.s32 $0xFFFFFFFF  }
0xab: {  	s26 =	simm.s32 $execute0_lowered;
	[smem:$0x3FD2] =	sst s25  }
0xac: {  	s5 =	sshll.u32 s26, $0x1;
	_ =	strace $0x80000046;
	[dreg:$0x1] =	wrdreg $0xFFFFFFFF  }
0xad: {  	s28 =	simm.s32 $_size_execute0_lowered;
	s3 =	sadd.s32 s3, s5;
	[dreg:$0x0] =	wrdreg $0x0  }
0xae: {  	s5 =	sshll.u32 s28, $0x1;
	[dreg:$0x2] =	wrdreg s3  }
0xaf: {  	[dreg:$0x3] =	wrdreg s5  }
0xb0: {  	[dreg:$0x4] =	wrdreg $0xC0  }
0xb1: {  	_ =	task [dreg:s7], $0x5FFFF  }
0xb2: {  	[dreg:$0x1] =	wrdreg $0xFFFFFFFF  }
0xb3: {  	[dreg:$0x0] =	wrdreg $0x60  }
0xb4: {  	[dreg:$0x2] =	wrdreg s16  }
0xb5: {  	[dreg:$0x3] =	wrdreg s24  }
0xb6: {  	[dreg:$0x4] =	wrdreg $0x9  }
0xb7: {  	_ =	task.clear_ibuf [dreg:s7], $0x5FFFF;
	_ =	strace $0x90000046  }
0xb8: {  	s29 =	simm.s32 $0x9;
	_ =	strace $0x80000048  }
0xb9: {  	_ =	swait.ge [sflag:s29], $0x1  }
0xba: {  	[sflag:s29] =	ssyncadd.s32 $0xFFFFFFFF  }
0xbb: {  	_ =	strace $0x90000048  }
0xbc: {  	_ =	sfence  }
0xbd: {  	s30 =	sld [smem:$0x0];
	_ =	sdelay $0x2  }
0xbe: {  	s31 =	sshll.u32 s1, $0xD;
	s1 =	sshrl.u32 s1, $0x2  }
0xbf: {  	s3 =	sand.u32 $0x4000, s31;
	s1 =	sadd.s32 s1, s30  }
0xc0: {  	s0 =	sor.u32 s3, s0;
	s1 =	sshll.u32 s1, $0x11  }
0xc1: {  	s0 =	sor.u32 s1, s0  }
0xc2: {  	s0 =	sadd.s32 $0x8F2B, s0  }
0xc3: {  	[sflag:s0] =	ssyncadd.remote.s32 $0x1  }
0xc4: {  	_ =	sfence.sel $0xFFFF  }
0xc5: {  	[dreg:$0x0] =	wrdreg $0xFFFFFFFF;
	(pc) =	sbr.abs _section_cstart, $3  }
0xc6: {  	[dreg:$0x1] =	wrdreg $0xFFFFFFFF  }
0xc7: {  	_ =	task.clear_ibuf [dreg:s7], $0x2FFFF;
	_ =	strace $0x9FFFFFFF  }
0xc8: {  	(tm) =	ssettm $0x7FFFFFFF  }
0xc9: {  	_ =	shalt  }
tec
execute0_lowered:
.L_overlay_start_1:
0x0: {  	(tag) =	ssettag $0x1  }
0x1: {  	s0 =	rddreg [dreg:$0x0];
	s1 =	srdreg.scid  }
0x2: {  	s3 =	stileid.u32;
	s2 =	rddreg [dreg:$0x1];
	s4 =	simm.s32 $0x0  }
0x3: {  	s1 =	sand.u32 $0x1, s1;
	s3 =	sshll.u32 s3, $0x1;
	[smem:$0x7FF] =	sst s4  }
0x4: {  	s6 =	sadd.s32 $0x1600, s2;
	s30 =	sadd.s32 $0x19B80, s2;
	s3 =	sor.u32 s1, s3  }
0x5: {  	_ =	strace $0x80000047;
	s1 =	ssub.s32 $0x2, s1;
	s5 =	smul.u32 $0x190, s3  }
0x6: {  	[dreg:$0xe] =	wrdreg s6;
	s26 =	smul.u32 $0xC80, s3;
	s28 =	sshrl.u32 s1, $0x1  }
0x7: {  	[dreg:$0x11] =	wrdreg s30;
	s1 =	ssub.s32 s1, s28;
	s0 =	sadd.s32 s0, s5  }
0x8: {  	s4 =	sadd.s32 s26, s2;
	s31 =	smax.u32 s1, $0x1;
	[dreg:$0xf] =	wrdreg s0  }
0x9: {  	s9 =	simm.s32 $0xC80;
	s29 =	sadd.s32 $0x1800, s4;
	[dreg:$0x12] =	wrdreg s31  }
0xa: {  	p0 =	seq.s32 s3, $0x1F;
	s2 =	simm.s32 $0x0;
	[dreg:$0x10] =	wrdreg s29  }
.LBB2_1:
0xb: {  	[dreg:$0x13] =	wrdreg s2  }
0xc: {  	s24 =	simm.s32 $0x0;
	s0 =	rddreg [dreg:$0xf];
	s1 =	simm.s32 $0x1  }
0xd: {  	[tilespmem:s24], [sflag:$0x1] =	stream.linear.gather [hbm4b:s0+s24], $0xC80, $0x38;
	[tilespmem:$0x1A980] =	vst v63  }
0xe: {  	_ =	swait.ge [sflag:s1], $0xC80  }
0xf: {  	[sflag:s1] =	ssyncset.done $0x0  }
0x10: {  	s26 =	rddreg [dreg:$0xe];
	[sflag:s1] =	ssyncadd.s32 $0xFFFFF380  }
0x11: {  	[tilespmem:s9], [sflag:$0x1] =	stream.linear.gather [hbm4b:s26+s24], $0xD00, $0x38;
	[tilespmem:$0x1A980] =	vst v63  }
0x12: {  	s18 =	sand.u32 $0x40, s24;
	_ =	swait.ge [sflag:s1], $0xD00  }
0x13: {  	s30 =	sand.u32 $0xF80, s24;
	s21 =	sor.u32 $0x30, s18;
	[sflag:s1] =	ssyncset.done $0x0  }
0x14: {  	s3 =	sor.u32 s21, s30;
	[sflag:s1] =	ssyncadd.s32 $0xFFFFF300  }
0x15: {  	s25 =	sor.u32 $0x10, s18;
	v0 =	vld [tilespmem:s3+$0x0]  }
0x16: {  	s20 =	sor.u32 $0x20, s18;
	s4 =	sor.u32 s25, s30  }
0x17: {  	s0 =	sor.u32 s20, s30;
	v1 =	vld [tilespmem:s4+$0x0]  }
0x18: {  	v2 =	vld [tilespmem:s0+$0x0]  }
0x19: {  	v5 =	vld [tilespmem:s24+$0x0]  }
0x1a: {  	v12 =	vshll.u32 v0, $0x5;
	_ =	sdelay $0x1  }
0x1b: {  	v4 =	vshll.u32 v1, $0x5  }
0x1c: {  	v3 =	vshll.u32 v2, $0x5  }
0x1d: {  	v0 =	vshll.u32 v5, $0x5  }
0x1e: {  	v1 =	vld.idx.msk [tilespmem:v12+s9+$0x0], $0xffff  }
0x1f: {  	v2 =	vor.u32 $0x1, v12  }
0x20: {  	s22 =	sand.u32 $0x7C00, s24;
	v5 =	vld.idx.msk [tilespmem:v4+s9+$0x0], $0xffff  }
0x21: {  	s5 =	sadd.s32 $0x1980, s22;
	v6 =	vor.u32 $0x1, v4;
	v7 =	vld.idx.msk [tilespmem:v3+s9+$0x0], $0xffff  }
0x22: {  	s6 =	sor.u32 s21, s5;
	v8 =	vor.u32 $0x1, v3;
	v9 =	vld.idx.msk [tilespmem:v0+s9+$0x0], $0xffff  }
0x23: {  	[tilespmem:s6+$0x0] =	vst v1;
	v1 =	vor.u32 $0x1, v0  }
0x24: {  	s7 =	sor.u32 s25, s5;
	v2 =	vld.idx.msk [tilespmem:v2+s9+$0x0], $0xffff  }
0x25: {  	s3 =	sor.u32 s20, s5;
	[tilespmem:s7+$0x0] =	vst v5;
	v5 =	vor.u32 $0x2, v12  }
0x26: {  	s4 =	sor.u32 s18, s5;
	[tilespmem:s3+$0x0] =	vst v7;
	v6 =	vld.idx.msk [tilespmem:v6+s9+$0x0], $0xffff  }
0x27: {  	v10 =	vor.u32 $0x2, v4;
	[tilespmem:s4+$0x0] =	vst v9;
	v7 =	vld.idx.msk [tilespmem:v8+s9+$0x0], $0xffff  }
0x28: {  	v8 =	vor.u32 $0x2, v3;
	v1 =	vld.idx.msk [tilespmem:v1+s9+$0x0], $0xffff  }
0x29: {  	[tilespmem:s6+$0x80] =	vst v2;
	v2 =	vor.u32 $0x2, v0  }
0x2a: {  	v5 =	vld.idx.msk [tilespmem:v5+s9+$0x0], $0xffff  }
0x2b: {  	[tilespmem:s7+$0x80] =	vst v6;
	v6 =	vor.u32 $0x3, v12  }
0x2c: {  	[tilespmem:s3+$0x80] =	vst v7;
	v9 =	vld.idx.msk [tilespmem:v10+s9+$0x0], $0xffff  }
0x2d: {  	v10 =	vor.u32 $0x3, v4;
	[tilespmem:s4+$0x80] =	vst v1;
	v1 =	vld.idx.msk [tilespmem:v8+s9+$0x0], $0xffff  }
0x2e: {  	v7 =	vor.u32 $0x3, v3;
	v2 =	vld.idx.msk [tilespmem:v2+s9+$0x0], $0xffff  }
0x2f: {  	[tilespmem:s6+$0x100] =	vst v5;
	v5 =	vor.u32 $0x3, v0  }
0x30: {  	v6 =	vld.idx.msk [tilespmem:v6+s9+$0x0], $0xffff  }
0x31: {  	v8 =	vor.u32 $0x4, v12;
	[tilespmem:s7+$0x100] =	vst v9  }
0x32: {  	v9 =	vld.idx.msk [tilespmem:v10+s9+$0x0], $0xffff;
	[tilespmem:s3+$0x100] =	vst v1  }
0x33: {  	v10 =	vor.u32 $0x4, v4;
	[tilespmem:s4+$0x100] =	vst v2;
	v1 =	vld.idx.msk [tilespmem:v7+s9+$0x0], $0xffff  }
0x34: {  	v2 =	vor.u32 $0x4, v3;
	v5 =	vld.idx.msk [tilespmem:v5+s9+$0x0], $0xffff  }
0x35: {  	p1 =	por $0x0, $0x0;
	s0 =	simm.s32 $0x1;
	[tilespmem:s6+$0x180] =	vst v6;
	v6 =	vor.u32 $0x4, v0  }
0x36: {  	s0 =	simm.s32 @!p1 $0x0;
	v7 =	vld.idx.msk [tilespmem:v8+s9+$0x0], $0xffff  }
0x37: {  	s0 =	sshll.u32 s0, $0x6;
	[tilespmem:s7+$0x180] =	vst v9;
	v8 =	vor.u32 $0x5, v12  }
0x38: {  	s0 =	sadd.s32 $0x0, s0;
	v9 =	vld.idx.msk [tilespmem:v10+s9+$0x0], $0xffff;
	[tilespmem:s3+$0x180] =	vst v1  }
0x39: {  	s8 =	sadd.s32 $0x30, s0;
	v10 =	vor.u32 $0x5, v4;
	[tilespmem:s4+$0x180] =	vst v5;
	v1 =	vld.idx.msk [tilespmem:v2+s9+$0x0], $0xffff  }
0x3a: {  	s10 =	sor.u32 $0x200, s8;
	v2 =	vor.u32 $0x5, v3;
	v5 =	vld.idx.msk [tilespmem:v6+s9+$0x0], $0xffff  }
0x3b: {  	s11 =	sadd.s32 $0x10, s0;
	v6 =	vor.u32 $0x5, v0;
	[tilespmem:s10+$0x1980] =	vst v7  }
0x3c: {  	s13 =	sadd.s32 $0x20, s0;
	s12 =	sor.u32 $0x200, s11;
	v7 =	vld.idx.msk [tilespmem:v8+s9+$0x0], $0xffff  }
0x3d: {  	s14 =	sor.u32 $0x200, s13;
	[tilespmem:s12+$0x1980] =	vst v9;
	v8 =	vor.u32 $0x6, v12  }
0x3e: {  	s5 =	sor.u32 $0x200, s0;
	v9 =	vld.idx.msk [tilespmem:v10+s9+$0x0], $0xffff;
	[tilespmem:s14+$0x1980] =	vst v1  }
0x3f: {  	v10 =	vor.u32 $0x6, v4;
	[tilespmem:s5+$0x1980] =	vst v5;
	v1 =	vld.idx.msk [tilespmem:v2+s9+$0x0], $0xffff  }
0x40: {  	s15 =	sor.u32 $0x280, s8;
	v2 =	vor.u32 $0x6, v3;
	v5 =	vld.idx.msk [tilespmem:v6+s9+$0x0], $0xffff  }
0x41: {  	v6 =	vor.u32 $0x6, v0;
	[tilespmem:s15+$0x1980] =	vst v7  }
0x42: {  	s16 =	sor.u32 $0x280, s11;
	v7 =	vld.idx.msk [tilespmem:v8+s9+$0x0], $0xffff  }
0x43: {  	s17 =	sor.u32 $0x280, s13;
	[tilespmem:s16+$0x1980] =	vst v9;
	v8 =	vor.u32 $0x7, v12  }
0x44: {  	s19 =	sor.u32 $0x280, s0;
	v9 =	vld.idx.msk [tilespmem:v10+s9+$0x0], $0xffff;
	[tilespmem:s17+$0x1980] =	vst v1  }
0x45: {  	v10 =	vor.u32 $0x7, v4;
	[tilespmem:s19+$0x1980] =	vst v5;
	v1 =	vld.idx.msk [tilespmem:v2+s9+$0x0], $0xffff  }
0x46: {  	s23 =	sor.u32 $0x300, s8;
	v2 =	vor.u32 $0x7, v3;
	v5 =	vld.idx.msk [tilespmem:v6+s9+$0x0], $0xffff  }
0x47: {  	v6 =	vor.u32 $0x7, v0;
	[tilespmem:s23+$0x1980] =	vst v7  }
0x48: {  	s24 =	sor.u32 $0x300, s11;
	v7 =	vld.idx.msk [tilespmem:v8+s9+$0x0], $0xffff  }
0x49: {  	s26 =	sor.u32 $0x300, s13;
	[tilespmem:s24+$0x1980] =	vst v9;
	v8 =	vor.u32 $0x8, v12  }
0x4a: {  	s30 =	sor.u32 $0x300, s0;
	v9 =	vld.idx.msk [tilespmem:v10+s9+$0x0], $0xffff;
	[tilespmem:s26+$0x1980] =	vst v1  }
0x4b: {  	v10 =	vor.u32 $0x8, v4;
	[tilespmem:s30+$0x1980] =	vst v5;
	v1 =	vld.idx.msk [tilespmem:v2+s9+$0x0], $0xffff  }
0x4c: {  	s1 =	sor.u32 $0x380, s8;
	v2 =	vor.u32 $0x8, v3;
	v5 =	vld.idx.msk [tilespmem:v6+s9+$0x0], $0xffff  }
0x4d: {  	v6 =	vor.u32 $0x8, v0;
	[tilespmem:s1+$0x1980] =	vst v7  }
0x4e: {  	s2 =	sor.u32 $0x380, s11;
	v7 =	vld.idx.msk [tilespmem:v8+s9+$0x0], $0xffff  }
0x4f: {  	s3 =	sor.u32 $0x380, s13;
	[tilespmem:s2+$0x1980] =	vst v9;
	v8 =	vor.u32 $0x9, v12  }
0x50: {  	s0 =	sor.u32 $0x380, s0;
	v9 =	vld.idx.msk [tilespmem:v10+s9+$0x0], $0xffff;
	[tilespmem:s3+$0x1980] =	vst v1  }
0x51: {  	s4 =	sadd.s32 $0x7D80, s22;
	v10 =	vor.u32 $0x9, v4;
	[tilespmem:s0+$0x1980] =	vst v5;
	v1 =	vld.idx.msk [tilespmem:v2+s9+$0x0], $0xffff  }
0x52: {  	s5 =	sor.u32 s21, s4;
	v2 =	vor.u32 $0x9, v3;
	v5 =	vld.idx.msk [tilespmem:v6+s9+$0x0], $0xffff  }
0x53: {  	v6 =	vor.u32 $0x9, v0;
	[tilespmem:s5+$0x0] =	vst v7  }
0x54: {  	s6 =	sor.u32 s25, s4;
	v7 =	vld.idx.msk [tilespmem:v8+s9+$0x0], $0xffff  }
0x55: {  	s7 =	sor.u32 s20, s4;
	[tilespmem:s6+$0x0] =	vst v9;
	v8 =	vor.u32 $0xA, v12  }
0x56: {  	s1 =	sor.u32 s18, s4;
	v9 =	vld.idx.msk [tilespmem:v10+s9+$0x0], $0xffff;
	[tilespmem:s7+$0x0] =	vst v1  }
0x57: {  	s8 =	sadd.s32 $0x7E00, s22;
	v10 =	vor.u32 $0xA, v4;
	[tilespmem:s1+$0x0] =	vst v5;
	v1 =	vld.idx.msk [tilespmem:v2+s9+$0x0], $0xffff  }
0x58: {  	s10 =	sor.u32 s21, s8;
	v2 =	vor.u32 $0xA, v3;
	v5 =	vld.idx.msk [tilespmem:v6+s9+$0x0], $0xffff  }
0x59: {  	v6 =	vor.u32 $0xA, v0;
	[tilespmem:s10+$0x0] =	vst v7  }
0x5a: {  	s11 =	sor.u32 s25, s8;
	v7 =	vld.idx.msk [tilespmem:v8+s9+$0x0], $0xffff  }
0x5b: {  	s12 =	sor.u32 s20, s8;
	[tilespmem:s11+$0x0] =	vst v9;
	v8 =	vor.u32 $0xB, v12  }
0x5c: {  	s0 =	sor.u32 s18, s8;
	v9 =	vld.idx.msk [tilespmem:v10+s9+$0x0], $0xffff;
	[tilespmem:s12+$0x0] =	vst v1  }
0x5d: {  	s13 =	sadd.s32 $0x7E80, s22;
	v10 =	vor.u32 $0xB, v4;
	[tilespmem:s0+$0x0] =	vst v5;
	v1 =	vld.idx.msk [tilespmem:v2+s9+$0x0], $0xffff  }
0x5e: {  	s14 =	sor.u32 s21, s13;
	v2 =	vor.u32 $0xB, v3;
	v5 =	vld.idx.msk [tilespmem:v6+s9+$0x0], $0xffff  }
0x5f: {  	v6 =	vor.u32 $0xB, v0;
	[tilespmem:s14+$0x0] =	vst v7  }
0x60: {  	s15 =	sor.u32 s25, s13;
	v7 =	vld.idx.msk [tilespmem:v8+s9+$0x0], $0xffff  }
0x61: {  	s16 =	sor.u32 s20, s13;
	[tilespmem:s15+$0x0] =	vst v9;
	v8 =	vor.u32 $0xC, v12  }
0x62: {  	s1 =	sor.u32 s18, s13;
	v9 =	vld.idx.msk [tilespmem:v10+s9+$0x0], $0xffff;
	[tilespmem:s16+$0x0] =	vst v1  }
0x63: {  	s17 =	sadd.s32 $0x7F00, s22;
	v10 =	vor.u32 $0xC, v4;
	[tilespmem:s1+$0x0] =	vst v5;
	v1 =	vld.idx.msk [tilespmem:v2+s9+$0x0], $0xffff  }
0x64: {  	s19 =	sor.u32 s21, s17;
	v2 =	vor.u32 $0xC, v3;
	v5 =	vld.idx.msk [tilespmem:v6+s9+$0x0], $0xffff  }
0x65: {  	v6 =	vor.u32 $0xC, v0;
	[tilespmem:s19+$0x0] =	vst v7  }
0x66: {  	s23 =	sor.u32 s25, s17;
	v7 =	vld.idx.msk [tilespmem:v8+s9+$0x0], $0xffff  }
0x67: {  	s24 =	sor.u32 s20, s17;
	[tilespmem:s23+$0x0] =	vst v9;
	v8 =	vor.u32 $0xD, v12  }
0x68: {  	s0 =	sor.u32 s18, s17;
	v9 =	vld.idx.msk [tilespmem:v10+s9+$0x0], $0xffff;
	[tilespmem:s24+$0x0] =	vst v1  }
0x69: {  	s26 =	sadd.s32 $0x7F80, s22;
	v10 =	vor.u32 $0xD, v4;
	[tilespmem:s0+$0x0] =	vst v5;
	v1 =	vld.idx.msk [tilespmem:v2+s9+$0x0], $0xffff  }
0x6a: {  	s30 =	sor.u32 s21, s26;
	v2 =	vor.u32 $0xD, v3;
	v5 =	vld.idx.msk [tilespmem:v6+s9+$0x0], $0xffff  }
0x6b: {  	v6 =	vor.u32 $0xD, v0;
	[tilespmem:s30+$0x0] =	vst v7  }
0x6c: {  	s2 =	sor.u32 s25, s26;
	v7 =	vld.idx.msk [tilespmem:v8+s9+$0x0], $0xffff  }
0x6d: {  	s3 =	sor.u32 s20, s26;
	[tilespmem:s2+$0x0] =	vst v9;
	v8 =	vor.u32 $0xE, v12  }
0x6e: {  	s1 =	sor.u32 s18, s26;
	v9 =	vld.idx.msk [tilespmem:v10+s9+$0x0], $0xffff;
	[tilespmem:s3+$0x0] =	vst v1  }
0x6f: {  	s4 =	sor.u32 $0x8000, s22;
	v10 =	vor.u32 $0xE, v4;
	[tilespmem:s1+$0x0] =	vst v5;
	v1 =	vld.idx.msk [tilespmem:v2+s9+$0x0], $0xffff  }
0x70: {  	s5 =	sor.u32 s21, s4;
	v2 =	vor.u32 $0xE, v3;
	v5 =	vld.idx.msk [tilespmem:v6+s9+$0x0], $0xffff  }
0x71: {  	v6 =	vor.u32 $0xE, v0;
	[tilespmem:s5+$0x0] =	vst v7  }
0x72: {  	s6 =	sor.u32 s25, s4;
	v7 =	vld.idx.msk [tilespmem:v8+s9+$0x0], $0xffff  }
0x73: {  	s7 =	sor.u32 s20, s4;
	[tilespmem:s6+$0x0] =	vst v9;
	v8 =	vor.u32 $0xF, v12  }
0x74: {  	s0 =	sor.u32 s18, s4;
	v9 =	vld.idx.msk [tilespmem:v10+s9+$0x0], $0xffff;
	[tilespmem:s7+$0x0] =	vst v1  }
0x75: {  	s8 =	sor.u32 $0x8080, s22;
	v10 =	vor.u32 $0xF, v4;
	[tilespmem:s0+$0x0] =	vst v5;
	v1 =	vld.idx.msk [tilespmem:v2+s9+$0x0], $0xffff  }
0x76: {  	s10 =	sor.u32 s21, s8;
	v2 =	vor.u32 $0xF, v3;
	v5 =	vld.idx.msk [tilespmem:v6+s9+$0x0], $0xffff  }
0x77: {  	v6 =	vor.u32 $0xF, v0;
	[tilespmem:s10+$0x0] =	vst v7  }
0x78: {  	s11 =	sor.u32 s25, s8;
	v7 =	vld.idx.msk [tilespmem:v8+s9+$0x0], $0xffff  }
0x79: {  	s12 =	sor.u32 s20, s8;
	[tilespmem:s11+$0x0] =	vst v9;
	v8 =	vor.u32 $0x10, v12  }
0x7a: {  	s1 =	sor.u32 s18, s8;
	v9 =	vld.idx.msk [tilespmem:v10+s9+$0x0], $0xffff;
	[tilespmem:s12+$0x0] =	vst v1  }
0x7b: {  	s29 =	simm.s32 $0x40;
	s13 =	sor.u32 $0x8100, s22;
	v10 =	vor.u32 $0x10, v4;
	[tilespmem:s1+$0x0] =	vst v5;
	v1 =	vld.idx.msk [tilespmem:v2+s9+$0x0], $0xffff  }
0x7c: {  	s14 =	sor.u32 s21, s13;
	s11 =	sand.u32 $0x40, s29;
	v2 =	vor.u32 $0x10, v3;
	v5 =	vld.idx.msk [tilespmem:v6+s9+$0x0], $0xffff  }
0x7d: {  	s23 =	sand.u32 $0xF80, s29;
	s28 =	sor.u32 $0x10, s11;
	v6 =	vor.u32 $0x10, v0;
	[tilespmem:s14+$0x0] =	vst v7  }
0x7e: {  	s15 =	sor.u32 s25, s13;
	s4 =	sor.u32 s28, s23;
	v7 =	vld.idx.msk [tilespmem:v8+s9+$0x0], $0xffff  }
0x7f: {  	s16 =	sor.u32 s20, s13;
	v13 =	vld [tilespmem:s4+$0x0];
	[tilespmem:s15+$0x0] =	vst v9;
	v8 =	vor.u32 $0x11, v12  }
0x80: {  	s0 =	sor.u32 s18, s13;
	v9 =	vld.idx.msk [tilespmem:v10+s9+$0x0], $0xffff;
	[tilespmem:s16+$0x0] =	vst v1  }
0x81: {  	s17 =	sadd.s32 $0xE180, s22;
	s15 =	sor.u32 $0x30, s11;
	[tilespmem:s0+$0x0] =	vst v5;
	v2 =	vld.idx.msk [tilespmem:v2+s9+$0x0], $0xffff  }
0x82: {  	s19 =	sor.u32 s21, s17;
	v10 =	vor.u32 $0x11, v4;
	s30 =	sor.u32 s15, s23;
	v5 =	vld.idx.msk [tilespmem:v6+s9+$0x0], $0xffff  }
0x83: {  	[tilespmem:s19+$0x0] =	vst v7;
	v7 =	vld [tilespmem:s30+$0x0]  }
0x84: {  	s24 =	sor.u32 $0x20, s11;
	v1 =	vld.idx.msk [tilespmem:v8+s9+$0x0], $0xffff;
	v8 =	vor.u32 $0x11, v3  }
0x85: {  	v11 =	vld [tilespmem:s29+$0x0];
	s26 =	sor.u32 s25, s17;
	s0 =	sor.u32 s24, s23;
	v6 =	vor.u32 $0x12, v12  }
0x86: {  	s7 =	sor.u32 s20, s17;
	v30 =	vshll.u32 v13, $0x5;
	v15 =	vld [tilespmem:s0+$0x0];
	[tilespmem:s26+$0x0] =	vst v9  }
0x87: {  	s8 =	sor.u32 s18, s17;
	s5 =	sadd.s32 $0xE200, s22;
	v9 =	vld.idx.msk [tilespmem:v10+s9+$0x0], $0xffff;
	v10 =	vor.u32 $0x11, v0;
	[tilespmem:s7+$0x0] =	vst v2  }
0x88: {  	v14 =	vor.u32 $0x12, v4;
	s6 =	sor.u32 s21, s5;
	[tilespmem:s8+$0x0] =	vst v5  }
0x89: {  	v2 =	vshll.u32 v7, $0x5;
	[tilespmem:s6+$0x0] =	vst v1;
	v5 =	vld.idx.msk [tilespmem:v8+s9+$0x0], $0xffff  }
0x8a: {  	v1 =	vshll.u32 v11, $0x5;
	v6 =	vld.idx.msk [tilespmem:v6+s9+$0x0], $0xffff  }
0x8b: {  	s10 =	sor.u32 s25, s5;
	v28 =	vshll.u32 v15, $0x5;
	v15 =	vld.idx.msk [tilespmem:v30+s9+$0x0], $0xffff;
	v7 =	vor.u32 $0x13, v12  }
0x8c: {  	v8 =	vld.idx.msk [tilespmem:v10+s9+$0x0], $0xffff;
	[tilespmem:s10+$0x0] =	vst v9  }
0x8d: {  	s12 =	sadd.s32 $0xE280, s22;
	s23 =	sor.u32 s20, s5;
	v10 =	vor.u32 $0x12, v3;
	v9 =	vld.idx.msk [tilespmem:v14+s9+$0x0], $0xffff  }
0x8e: {  	v13 =	vor.u32 $0x12, v0;
	s19 =	sor.u32 s21, s12;
	v14 =	vld.idx.msk [tilespmem:v2+s9+$0x0], $0xffff;
	[tilespmem:s23+$0x0] =	vst v5  }
0x8f: {  	s26 =	simm.s32 $0x200;
	s30 =	simm.s32 $0x200;
	v16 =	vor.u32 $0x1, v2;
	v11 =	vld.idx.msk [tilespmem:v1+s9+$0x0], $0xffff;
	[tilespmem:s19+$0x0] =	vst v6  }
0x90: {  	s2 =	sor.u32 s18, s5;
	s23 =	sand.u32 $0x7C00, s26;
	v6 =	vor.u32 $0x13, v4;
	v7 =	vld.idx.msk [tilespmem:v7+s9+$0x0], $0xffff;
	[dreg:$0x4] =	wrdreg s30  }
0x91: {  	v17 =	vor.u32 $0x14, v12;
	s3 =	sor.u32 s25, s12;
	s6 =	sadd.s32 $0x1980, s23;
	v5 =	vld.idx.msk [tilespmem:v28+s9+$0x0], $0xffff;
	[tilespmem:s2+$0x0] =	vst v8  }
0x92: {  	v18 =	vor.u32 $0x1, v30;
	s4 =	sor.u32 s15, s6;
	v8 =	vld.idx.msk [tilespmem:v10+s9+$0x0], $0xffff;
	[tilespmem:s3+$0x0] =	vst v9  }
0x93: {  	s13 =	sadd.s32 $0xE300, s22;
	s16 =	sor.u32 s28, s6;
	v10 =	vor.u32 $0x1, v28;
	v9 =	vld.idx.msk [tilespmem:v13+s9+$0x0], $0xffff;
	[tilespmem:s4+$0x0] =	vst v14  }
0x94: {  	s14 =	sor.u32 s21, s13;
	[tilespmem:s16+$0x0] =	vst v15;
	v13 =	vor.u32 $0x1, v1;
	v16 =	vld.idx.msk [tilespmem:v16+s9+$0x0], $0xffff  }
0x95: {  	s19 =	sor.u32 s11, s6;
	v14 =	vor.u32 $0x13, v3;
	v6 =	vld.idx.msk [tilespmem:v6+s9+$0x0], $0xffff;
	[tilespmem:s14+$0x0] =	vst v7  }
0x96: {  	s17 =	sor.u32 s24, s6;
	[tilespmem:s19+$0x0] =	vst v11;
	v7 =	vor.u32 $0x13, v0;
	v15 =	vld.idx.msk [tilespmem:v17+s9+$0x0], $0xffff  }
0x97: {  	s26 =	sor.u32 s20, s12;
	v17 =	vld.idx.msk [tilespmem:v18+s9+$0x0], $0xffff;
	[tilespmem:s17+$0x0] =	vst v5;
	v5 =	vor.u32 $0x2, v2  }
0x98: {  	s0 =	sor.u32 s18, s12;
	v11 =	vor.u32 $0x15, v12;
	[tilespmem:s26+$0x0] =	vst v8;
	v10 =	vld.idx.msk [tilespmem:v10+s9+$0x0], $0xffff  }
0x99: {  	v18 =	vor.u32 $0x2, v30;
	v13 =	vld.idx.msk [tilespmem:v13+s9+$0x0], $0xffff;
	[tilespmem:s0+$0x0] =	vst v9  }
0x9a: {  	s8 =	sor.u32 s25, s13;
	s30 =	sadd.s32 $0xE380, s22;
	v8 =	vor.u32 $0x2, v28;
	v9 =	vld.idx.msk [tilespmem:v14+s9+$0x0], $0xffff;
	[tilespmem:s4+$0x80] =	vst v16  }
0x9b: {  	s7 =	sor.u32 s21, s30;
	v14 =	vor.u32 $0x2, v1;
	[tilespmem:s8+$0x0] =	vst v6;
	v7 =	vld.idx.msk [tilespmem:v7+s9+$0x0], $0xffff  }
0x9c: {  	v16 =	vor.u32 $0x14, v4;
	v5 =	vld.idx.msk [tilespmem:v5+s9+$0x0], $0xffff;
	[tilespmem:s7+$0x0] =	vst v15  }
0x9d: {  	v15 =	vor.u32 $0x14, v3;
	[tilespmem:s16+$0x80] =	vst v17;
	v11 =	vld.idx.msk [tilespmem:v11+s9+$0x0], $0xffff  }
0x9e: {  	v17 =	vld.idx.msk [tilespmem:v18+s9+$0x0], $0xffff;
	[tilespmem:s17+$0x80] =	vst v10;
	v10 =	vor.u32 $0x3, v2  }
0x9f: {  	s7 =	sor.u32 s20, s13;
	[tilespmem:s19+$0x80] =	vst v13;
	v13 =	vor.u32 $0x16, v12;
	v8 =	vld.idx.msk [tilespmem:v8+s9+$0x0], $0xffff  }
0xa0: {  	s2 =	sor.u32 s18, s13;
	v18 =	vor.u32 $0x3, v30;
	[tilespmem:s7+$0x0] =	vst v9;
	v14 =	vld.idx.msk [tilespmem:v14+s9+$0x0], $0xffff  }
0xa1: {  	s0 =	sadd.s32 $0xE400, s22;
	v6 =	vor.u32 $0x3, v28;
	v16 =	vld.idx.msk [tilespmem:v16+s9+$0x0], $0xffff;
	[tilespmem:s2+$0x0] =	vst v7  }
0xa2: {  	s10 =	sor.u32 s21, s0;
	v9 =	vor.u32 $0x3, v1;
	[tilespmem:s4+$0x100] =	vst v5;
	v5 =	vld.idx.msk [tilespmem:v15+s9+$0x0], $0xffff  }
0xa3: {  	v15 =	vor.u32 $0x14, v0;
	v10 =	vld.idx.msk [tilespmem:v10+s9+$0x0], $0xffff;
	[tilespmem:s10+$0x0] =	vst v11  }
0xa4: {  	v11 =	vor.u32 $0x15, v4;
	[tilespmem:s16+$0x100] =	vst v17;
	v13 =	vld.idx.msk [tilespmem:v13+s9+$0x0], $0xffff  }
0xa5: {  	v17 =	vld.idx.msk [tilespmem:v18+s9+$0x0], $0xffff;
	[tilespmem:s17+$0x100] =	vst v8;
	v8 =	vor.u32 $0x4, v2  }
0xa6: {  	s12 =	sor.u32 s25, s30;
	[tilespmem:s19+$0x100] =	vst v14;
	v14 =	vor.u32 $0x17, v12;
	v6 =	vld.idx.msk [tilespmem:v6+s9+$0x0], $0xffff  }
0xa7: {  	s2 =	sadd.s32 $0xE480, s22;
	v18 =	vor.u32 $0x4, v30;
	[tilespmem:s12+$0x0] =	vst v16;
	v9 =	vld.idx.msk [tilespmem:v9+s9+$0x0], $0xffff  }
0xa8: {  	v7 =	vor.u32 $0x4, v28;
	s13 =	sor.u32 s21, s2;
	v15 =	vld.idx.msk [tilespmem:v15+s9+$0x0], $0xffff;
	[tilespmem:s4+$0x180] =	vst v10  }
0xa9: {  	v16 =	vor.u32 $0x4, v1;
	v10 =	vld.idx.msk [tilespmem:v11+s9+$0x0], $0xffff;
	[tilespmem:s13+$0x0] =	vst v13  }
0xaa: {  	p1 =	por !p1, !p1;
	s5 =	simm.s32 $0x1;
	v11 =	vor.u32 $0x15, v3;
	v8 =	vld.idx.msk [tilespmem:v8+s9+$0x0], $0xffff;
	[tilespmem:s16+$0x180] =	vst v17  }
0xab: {  	s5 =	simm.s32 @!p1 $0x0;
	v13 =	vor.u32 $0x15, v0;
	v14 =	vld.idx.msk [tilespmem:v14+s9+$0x0], $0xffff;
	[tilespmem:s17+$0x180] =	vst v6  }
0xac: {  	s14 =	sshll.u32 s5, $0x6;
	s16 =	sor.u32 s20, s30;
	v17 =	vld.idx.msk [tilespmem:v18+s9+$0x0], $0xffff;
	v6 =	vor.u32 $0x5, v2;
	[tilespmem:s19+$0x180] =	vst v9  }
0xad: {  	s4 =	sadd.s32 $0x200, s14;
	v9 =	vor.u32 $0x18, v12;
	s17 =	sor.u32 s18, s30;
	[tilespmem:s16+$0x0] =	vst v5;
	v7 =	vld.idx.msk [tilespmem:v7+s9+$0x0], $0xffff  }
0xae: {  	s12 =	sor.u32 s25, s0;
	s7 =	sadd.s32 $0x30, s4;
	v18 =	vor.u32 $0x5, v30;
	v16 =	vld.idx.msk [tilespmem:v16+s9+$0x0], $0xffff;
	[tilespmem:s17+$0x0] =	vst v15  }
0xaf: {  	s3 =	sadd.s32 $0xE500, s22;
	v5 =	vor.u32 $0x5, v28;
	s19 =	sor.u32 $0x200, s7;
	v11 =	vld.idx.msk [tilespmem:v11+s9+$0x0], $0xffff;
	[tilespmem:s12+$0x0] =	vst v10  }
0xb0: {  	s26 =	sor.u32 s21, s3;
	s5 =	sadd.s32 $0x10, s4;
	v15 =	vor.u32 $0x5, v1;
	[tilespmem:s19+$0x1980] =	vst v8;
	v8 =	vld.idx.msk [tilespmem:v13+s9+$0x0], $0xffff  }
0xb1: {  	s6 =	sadd.s32 $0x20, s4;
	s8 =	sor.u32 $0x200, s5;
	v13 =	vor.u32 $0x16, v4;
	v6 =	vld.idx.msk [tilespmem:v6+s9+$0x0], $0xffff;
	[tilespmem:s26+$0x0] =	vst v14  }
0xb2: {  	s30 =	sor.u32 $0x200, s6;
	v14 =	vor.u32 $0x16, v3;
	[tilespmem:s8+$0x1980] =	vst v17;
	v9 =	vld.idx.msk [tilespmem:v9+s9+$0x0], $0xffff  }
0xb3: {  	s10 =	sor.u32 $0x200, s4;
	v17 =	vld.idx.msk [tilespmem:v18+s9+$0x0], $0xffff;
	[tilespmem:s30+$0x1980] =	vst v7;
	v7 =	vor.u32 $0x6, v2  }
0xb4: {  	s13 =	sor.u32 s20, s0;
	[tilespmem:s10+$0x1980] =	vst v16;
	v16 =	vor.u32 $0x19, v12;
	v5 =	vld.idx.msk [tilespmem:v5+s9+$0x0], $0xffff  }
0xb5: {  	s0 =	sor.u32 s18, s0;
	v18 =	vor.u32 $0x6, v30;
	v15 =	vld.idx.msk [tilespmem:v15+s9+$0x0], $0xffff;
	[tilespmem:s13+$0x0] =	vst v11  }
0xb6: {  	s1 =	sadd.s32 $0x14580, s22;
	v10 =	vor.u32 $0x6, v28;
	s10 =	sor.u32 $0x280, s7;
	v13 =	vld.idx.msk [tilespmem:v13+s9+$0x0], $0xffff;
	[tilespmem:s0+$0x0] =	vst v8  }
0xb7: {  	s14 =	sor.u32 s21, s1;
	v11 =	vor.u32 $0x6, v1;
	[tilespmem:s10+$0x1980] =	vst v6;
	v6 =	vld.idx.msk [tilespmem:v14+s9+$0x0], $0xffff  }
0xb8: {  	s16 =	sor.u32 $0x280, s5;
	v14 =	vor.u32 $0x16, v0;
	v7 =	vld.idx.msk [tilespmem:v7+s9+$0x0], $0xffff;
	[tilespmem:s14+$0x0] =	vst v9  }
0xb9: {  	s17 =	sor.u32 $0x280, s6;
	v9 =	vor.u32 $0x17, v4;
	[tilespmem:s16+$0x1980] =	vst v17;
	v16 =	vld.idx.msk [tilespmem:v16+s9+$0x0], $0xffff  }
0xba: {  	s19 =	sor.u32 $0x280, s4;
	v17 =	vld.idx.msk [tilespmem:v18+s9+$0x0], $0xffff;
	[tilespmem:s17+$0x1980] =	vst v5;
	v5 =	vor.u32 $0x7, v2  }
0xbb: {  	s26 =	sor.u32 s25, s2;
	[tilespmem:s19+$0x1980] =	vst v15;
	v15 =	vor.u32 $0x1A, v12;
	v10 =	vld.idx.msk [tilespmem:v10+s9+$0x0], $0xffff  }
0xbc: {  	s16 =	sor.u32 s20, s2;
	v18 =	vor.u32 $0x7, v30;
	v11 =	vld.idx.msk [tilespmem:v11+s9+$0x0], $0xffff;
	[tilespmem:s26+$0x0] =	vst v13  }
0xbd: {  	s30 =	sor.u32 $0x300, s7;
	v8 =	vor.u32 $0x7, v28;
	s0 =	sadd.s32 $0x14600, s22;
	v14 =	vld.idx.msk [tilespmem:v14+s9+$0x0], $0xffff;
	[tilespmem:s16+$0x0] =	vst v6  }
0xbe: {  	s10 =	sor.u32 s21, s0;
	v13 =	vor.u32 $0x7, v1;
	[tilespmem:s30+$0x1980] =	vst v7;
	v7 =	vld.idx.msk [tilespmem:v9+s9+$0x0], $0xffff  }
0xbf: {  	s12 =	sor.u32 $0x300, s5;
	v9 =	vor.u32 $0x17, v3;
	v5 =	vld.idx.msk [tilespmem:v5+s9+$0x0], $0xffff;
	[tilespmem:s10+$0x0] =	vst v16  }
0xc0: {  	s13 =	sor.u32 $0x300, s6;
	[tilespmem:s12+$0x1980] =	vst v17;
	v16 =	vor.u32 $0x17, v0;
	v15 =	vld.idx.msk [tilespmem:v15+s9+$0x0], $0xffff  }
0xc1: {  	s14 =	sor.u32 $0x300, s4;
	v17 =	vld.idx.msk [tilespmem:v18+s9+$0x0], $0xffff;
	[tilespmem:s13+$0x1980] =	vst v10;
	v10 =	vor.u32 $0x8, v2  }
0xc2: {  	s2 =	sor.u32 s18, s2;
	[tilespmem:s14+$0x1980] =	vst v11;
	v11 =	vor.u32 $0x1B, v12;
	v8 =	vld.idx.msk [tilespmem:v8+s9+$0x0], $0xffff  }
0xc3: {  	s19 =	sor.u32 s25, s3;
	v18 =	vor.u32 $0x8, v30;
	v13 =	vld.idx.msk [tilespmem:v13+s9+$0x0], $0xffff;
	[tilespmem:s2+$0x0] =	vst v14  }
0xc4: {  	s7 =	sor.u32 $0x380, s7;
	v6 =	vor.u32 $0x8, v28;
	s2 =	sadd.s32 $0x14680, s22;
	v9 =	vld.idx.msk [tilespmem:v9+s9+$0x0], $0xffff;
	[tilespmem:s19+$0x0] =	vst v7  }
0xc5: {  	v14 =	vor.u32 $0x8, v1;
	s17 =	sor.u32 s21, s2;
	[tilespmem:s7+$0x1980] =	vst v5;
	v5 =	vld.idx.msk [tilespmem:v16+s9+$0x0], $0xffff  }
0xc6: {  	s5 =	sor.u32 $0x380, s5;
	v16 =	vor.u32 $0x18, v4;
	v10 =	vld.idx.msk [tilespmem:v10+s9+$0x0], $0xffff;
	[tilespmem:s17+$0x0] =	vst v15  }
0xc7: {  	s6 =	sor.u32 $0x380, s6;
	v15 =	vor.u32 $0x18, v3;
	[tilespmem:s5+$0x1980] =	vst v17;
	v11 =	vld.idx.msk [tilespmem:v11+s9+$0x0], $0xffff  }
0xc8: {  	s4 =	sor.u32 $0x380, s4;
	v17 =	vld.idx.msk [tilespmem:v18+s9+$0x0], $0xffff;
	[tilespmem:s6+$0x1980] =	vst v8;
	v8 =	vor.u32 $0x9, v2  }
0xc9: {  	s26 =	sor.u32 s20, s3;
	[tilespmem:s4+$0x1980] =	vst v13;
	v13 =	vor.u32 $0x1C, v12;
	v6 =	vld.idx.msk [tilespmem:v6+s9+$0x0], $0xffff  }
0xca: {  	s3 =	sor.u32 s18, s3;
	s30 =	sadd.s32 $0x7D80, s23;
	v18 =	vor.u32 $0x9, v30;
	v14 =	vld.idx.msk [tilespmem:v14+s9+$0x0], $0xffff;
	[tilespmem:s26+$0x0] =	vst v9  }
0xcb: {  	s8 =	sor.u32 s15, s30;
	v7 =	vor.u32 $0x9, v28;
	s5 =	sadd.s32 $0x14700, s22;
	v16 =	vld.idx.msk [tilespmem:v16+s9+$0x0], $0xffff;
	[tilespmem:s3+$0x0] =	vst v5  }
0xcc: {  	s10 =	sor.u32 s21, s5;
	v9 =	vor.u32 $0x9, v1;
	[tilespmem:s8+$0x0] =	vst v10;
	v10 =	vld.idx.msk [tilespmem:v15+s9+$0x0], $0xffff  }
0xcd: {  	s12 =	sor.u32 s28, s30;
	v15 =	vor.u32 $0x18, v0;
	v8 =	vld.idx.msk [tilespmem:v8+s9+$0x0], $0xffff;
	[tilespmem:s10+$0x0] =	vst v11  }
0xce: {  	s13 =	sor.u32 s24, s30;
	v11 =	vor.u32 $0x19, v4;
	[tilespmem:s12+$0x0] =	vst v17;
	v13 =	vld.idx.msk [tilespmem:v13+s9+$0x0], $0xffff  }
0xcf: {  	s6 =	sor.u32 s11, s30;
	v17 =	vld.idx.msk [tilespmem:v18+s9+$0x0], $0xffff;
	[tilespmem:s13+$0x0] =	vst v6;
	v6 =	vor.u32 $0xA, v2  }
0xd0: {  	s14 =	sor.u32 s25, s1;
	[tilespmem:s6+$0x0] =	vst v14;
	v14 =	vor.u32 $0x1D, v12;
	v7 =	vld.idx.msk [tilespmem:v7+s9+$0x0], $0xffff  }
0xd1: {  	s16 =	sadd.s32 $0x7E00, s23;
	s8 =	sor.u32 s20, s1;
	v18 =	vor.u32 $0xA, v30;
	v9 =	vld.idx.msk [tilespmem:v9+s9+$0x0], $0xffff;
	[tilespmem:s14+$0x0] =	vst v16  }
0xd2: {  	v19 =	vor.u32 $0xA, v28;
	s7 =	sadd.s32 $0x14780, s22;
	s17 =	sor.u32 s15, s16;
	v15 =	vld.idx.msk [tilespmem:v15+s9+$0x0], $0xffff;
	[tilespmem:s8+$0x0] =	vst v10  }
0xd3: {  	v20 =	vor.u32 $0x19, v3;
	s19 =	sor.u32 s21, s7;
	[tilespmem:s17+$0x0] =	vst v8;
	v8 =	vld.idx.msk [tilespmem:v11+s9+$0x0], $0xffff  }
0xd4: {  	s26 =	sor.u32 s28, s16;
	v16 =	vor.u32 $0xA, v1;
	v6 =	vld.idx.msk [tilespmem:v6+s9+$0x0], $0xffff;
	[tilespmem:s19+$0x0] =	vst v13  }
0xd5: {  	s30 =	sor.u32 s24, s16;
	[tilespmem:s26+$0x0] =	vst v17;
	v17 =	vor.u32 $0x19, v0;
	v14 =	vld.idx.msk [tilespmem:v14+s9+$0x0], $0xffff  }
0xd6: {  	v33 =	vor.u32 $0x1B, v3;
	s6 =	sor.u32 s11, s16;
	v18 =	vld.idx.msk [tilespmem:v18+s9+$0x0], $0xffff;
	[tilespmem:s30+$0x0] =	vst v7;
	v7 =	vor.u32 $0xB, v2  }
0xd7: {  	v29 =	vor.u32 $0x1C, v4;
	v31 =	vor.u32 $0x1C, v3;
	s1 =	sor.u32 s18, s1;
	s10 =	sadd.s32 $0x7E80, s23;
	[tilespmem:s6+$0x0] =	vst v9;
	v9 =	vld.idx.msk [tilespmem:v19+s9+$0x0], $0xffff;
	v19 =	vor.u32 $0x1E, v12  }
0xd8: {  	v27 =	vor.u32 $0x1D, v4;
	v24 =	vor.u32 $0x1E, v4;
	v21 =	vor.u32 $0xB, v30;
	s12 =	sor.u32 s15, s10;
	v10 =	vld.idx.msk [tilespmem:v20+s9+$0x0], $0xffff;
	[tilespmem:s1+$0x0] =	vst v15;
	s1 =	sadd.s32 $0x14800, s22  }
0xd9: {  	v26 =	vor.u32 $0x1D, v3;
	v23 =	vor.u32 $0x1F, v4;
	v25 =	vor.u32 $0x1E, v3;
	v16 =	vld.idx.msk [tilespmem:v16+s9+$0x0], $0xffff;
	s13 =	sor.u32 s21, s1;
	[tilespmem:s12+$0x0] =	vst v6  }
0xda: {  	v22 =	vor.u32 $0x1F, v3;
	s14 =	sor.u32 s28, s10;
	v13 =	vor.u32 $0x1A, v3;
	v3 =	vor.u32 $0xB, v1;
	v6 =	vld.idx.msk [tilespmem:v17+s9+$0x0], $0xffff;
	[tilespmem:s13+$0x0] =	vst v14  }
0xdb: {  	v5 =	vor.u32 $0x1B, v4;
	s16 =	sor.u32 s24, s10;
	v11 =	vor.u32 $0x1A, v4;
	v4 =	vor.u32 $0xB, v28;
	v7 =	vld.idx.msk [tilespmem:v7+s9+$0x0], $0xffff;
	[tilespmem:s14+$0x0] =	vst v18  }
0xdc: {  	s19 =	sor.u32 s18, s2;
	v14 =	vld.idx.msk [tilespmem:v19+s9+$0x0], $0xffff;
	[tilespmem:s16+$0x0] =	vst v9  }
0xdd: {  	s4 =	sor.u32 s11, s10;
	v18 =	vld.idx.msk [tilespmem:v21+s9+$0x0], $0xffff;
	[dreg:$0x9] =	wrdreg s19  }
0xde: {  	s17 =	sor.u32 s25, s0;
	[tilespmem:s4+$0x0] =	vst v16  }
0xdf: {  	[tilespmem:s17+$0x0] =	vst v8;
	v16 =	vld.idx.msk [tilespmem:v3+s9+$0x0], $0xffff;
	v3 =	vor.u32 $0x14, v30  }
0xe0: {  	v49 =	vor.u32 $0xD, v30;
	v63 =	vor.u32 $0xE, v30;
	v62 =	vor.u32 $0xF, v30;
	s12 =	sor.u32 s18, s0;
	s0 =	sor.u32 s20, s0;
	v4 =	vld.idx.msk [tilespmem:v4+s9+$0x0], $0xffff;
	[tilespmem:$0x1FFE0] =	vst v3  }
0xe1: {  	v59 =	vor.u32 $0x10, v30;
	s14 =	sadd.s32 $0x7F00, s23;
	v9 =	vor.u32 $0xC, v2;
	v3 =	vor.u32 $0x14, v28;
	[tilespmem:s0+$0x0] =	vst v10  }
0xe2: {  	v50 =	vor.u32 $0x11, v30;
	v36 =	vor.u32 $0x12, v30;
	s3 =	sadd.s32 $0x14880, s22;
	s10 =	sor.u32 s20, s2;
	v12 =	vor.u32 $0x1F, v12;
	s26 =	sor.u32 s15, s14;
	v11 =	vld.idx.msk [tilespmem:v11+s9+$0x0], $0xffff;
	[tilespmem:$0x1FFF0] =	vst v3  }
0xe3: {  	v51 =	vor.u32 $0x13, v30;
	v53 =	vor.u32 $0x15, v30;
	s30 =	sor.u32 s21, s3;
	v15 =	vor.u32 $0xC, v30;
	s13 =	sor.u32 s25, s2;
	s2 =	sor.u32 s20, s5;
	[tilespmem:s26+$0x0] =	vst v7  }
0xe4: {  	v52 =	vor.u32 $0x16, v30;
	v44 =	vor.u32 $0x17, v30;
	v17 =	vor.u32 $0xC, v28;
	s16 =	sor.u32 s25, s5;
	s4 =	sor.u32 s18, s5;
	s5 =	sor.u32 s28, s14;
	[tilespmem:s30+$0x0] =	vst v14  }
0xe5: {  	v42 =	vor.u32 $0x1C, v30;
	v56 =	vor.u32 $0x1D, v30;
	v32 =	vor.u32 $0x1E, v30;
	s31 =	sor.u32 s20, s3;
	s8 =	sor.u32 s18, s1;
	v3 =	vld.idx.msk [tilespmem:v13+s9+$0x0], $0xffff;
	[tilespmem:s5+$0x0] =	vst v18  }
0xe6: {  	v48 =	vor.u32 $0xD, v28;
	v47 =	vor.u32 $0xE, v28;
	s6 =	sor.u32 s25, s7;
	s19 =	sor.u32 s24, s14;
	v10 =	vor.u32 $0xC, v1;
	v13 =	vld.idx.msk [tilespmem:v9+s9+$0x0], $0xffff;
	[dreg:$0x8] =	wrdreg s8  }
0xe7: {  	v45 =	vor.u32 $0xF, v28;
	v58 =	vor.u32 $0x10, v28;
	s17 =	sor.u32 s18, s7;
	s7 =	sor.u32 s20, s7;
	v14 =	vor.u32 $0x1A, v0;
	s26 =	sor.u32 s11, s14;
	v12 =	vld.idx.msk [tilespmem:v12+s9+$0x0], $0xffff;
	[tilespmem:s19+$0x0] =	vst v4  }
0xe8: {  	v34 =	vor.u32 $0x11, v28;
	v55 =	vor.u32 $0x12, v28;
	v54 =	vor.u32 $0x13, v28;
	s0 =	sor.u32 s20, s1;
	s30 =	sadd.s32 $0x14900, s22;
	v7 =	vld.idx.msk [tilespmem:v15+s9+$0x0], $0xffff;
	[tilespmem:s26+$0x0] =	vst v16;
	s19 =	sor.u32 s18, s3  }
0xe9: {  	v61 =	vor.u32 $0x15, v28;
	v60 =	vor.u32 $0x16, v28;
	s5 =	sor.u32 s25, s3;
	s8 =	sor.u32 s25, s1;
	v15 =	vor.u32 $0xD, v2;
	v8 =	vld.idx.msk [tilespmem:v17+s9+$0x0], $0xffff;
	[dreg:$0x7] =	wrdreg s19  }
0xea: {  	v41 =	vor.u32 $0x17, v28;
	v40 =	vor.u32 $0x18, v28;
	v43 =	vor.u32 $0x1B, v28;
	s21 =	sor.u32 s21, s30;
	s19 =	smov.u32 s23;
	s23 =	sadd.s32 $0x7F80, s23;
	[tilespmem:s12+$0x0] =	vst v6  }
0xeb: {  	v39 =	vor.u32 $0x1C, v28;
	v37 =	vor.u32 $0x1D, v28;
	v20 =	vor.u32 $0x19, v28;
	s22 =	sor.u32 s18, s30;
	s1 =	sor.u32 s25, s30;
	v9 =	vld.idx.msk [tilespmem:v10+s9+$0x0], $0xffff;
	[tilespmem:s13+$0x0] =	vst v11;
	s26 =	sor.u32 s15, s23  }
0xec: {  	v21 =	vor.u32 $0x18, v30;
	v19 =	vor.u32 $0x19, v30;
	v18 =	vor.u32 $0x1A, v30;
	s25 =	smov.u32 s15;
	s18 =	smov.u32 s11;
	s15 =	sor.u32 s20, s30;
	v4 =	vld.idx.msk [tilespmem:v14+s9+$0x0], $0xffff;
	[tilespmem:s26+$0x0] =	vst v13  }
0xed: {  	v16 =	vor.u32 $0x1B, v30;
	v17 =	vor.u32 $0x1A, v28;
	s12 =	sor.u32 s11, s23;
	s14 =	sor.u32 s28, s23;
	v11 =	vor.u32 $0xD, v1;
	s30 =	simm.s32 $0x4;
	v5 =	vld.idx.msk [tilespmem:v5+s9+$0x0], $0xffff;
	[tilespmem:s21+$0x0] =	vst v12  }
0xee: {  	s13 =	sor.u32 s24, s23;
	v14 =	vor.u32 $0x1F, v28;
	v13 =	vor.u32 $0x1F, v30;
	v30 =	vor.u32 $0x1E, v28;
	s26 =	simm.s32 $0x80;
	v10 =	vld.idx.msk [tilespmem:v15+s9+$0x0], $0xffff;
	[dreg:$0x5] =	wrdreg s30  }
.LBB2_2:
0xef: {  	[tilespmem:$0x1FE90] =	vst v21  }
0xf0: {  	[tilespmem:$0x1FEA0] =	vst v40  }
0xf1: {  	[tilespmem:$0x1FED0] =	vst v19  }
0xf2: {  	[tilespmem:$0x1FE60] =	vst v41  }
0xf3: {  	v6 =	vld [tilespmem:s26+$0x0];
	[tilespmem:s12+$0x0] =	vst v9  }
0xf4: {  	[tilespmem:s14+$0x0] =	vst v7  }
0xf5: {  	s3 =	rddreg [dreg:$0x9];
	v11 =	vld.idx.msk [tilespmem:v11+s9+$0x0], $0xffff;
	v7 =	vor.u32 $0x1B, v0;
	[tilespmem:s13+$0x0] =	vst v8  }
0xf6: {  	v12 =	vld.idx.msk [tilespmem:v49+s9+$0x0], $0xffff;
	v8 =	vor.u32 $0xE, v2;
	[tilespmem:s3+$0x0] =	vst v4  }
0xf7: {  	s30 =	smov.u32 s19;
	[tilespmem:s16+$0x0] =	vst v5  }
0xf8: {  	s11 =	sor.u32 $0x8000, s30;
	s14 =	smov.u32 s22;
	s22 =	smov.u32 s25;
	v4 =	vmov v43;
	v9 =	vld.idx.msk [tilespmem:v48+s9+$0x0], $0xffff;
	[tilespmem:s10+$0x0] =	vst v3  }
0xf9: {  	[dreg:$0x6] =	wrdreg s26;
	s21 =	smov.u32 s28;
	s26 =	sor.u32 s22, s11;
	[tilespmem:$0x1FF70] =	vst v4;
	v4 =	vor.u32 $0xE, v1;
	v3 =	vld.idx.msk [tilespmem:v33+s9+$0x0], $0xffff  }
0xfa: {  	s20 =	smov.u32 s18;
	s25 =	sor.u32 s21, s11;
	[tilespmem:s26+$0x0] =	vst v10;
	v7 =	vld.idx.msk [tilespmem:v7+s9+$0x0], $0xffff  }
0xfb: {  	s23 =	smov.u32 s24;
	s24 =	sor.u32 s20, s11;
	v8 =	vld.idx.msk [tilespmem:v8+s9+$0x0], $0xffff;
	[tilespmem:s25+$0x0] =	vst v12  }
0xfc: {  	[tilespmem:s24+$0x0] =	vst v11;
	v12 =	vmov v42;
	v10 =	vld.idx.msk [tilespmem:v29+s9+$0x0], $0xffff  }
0xfd: {  	s18 =	sor.u32 s23, s11;
	[tilespmem:$0x1FE00] =	vst v12;
	v12 =	vld.idx.msk [tilespmem:v63+s9+$0x0], $0xffff  }
0xfe: {  	v5 =	vor.u32 $0x1C, v0;
	[tilespmem:s18+$0x0] =	vst v9;
	v4 =	vld.idx.msk [tilespmem:v4+s9+$0x0], $0xffff  }
0xff: {  	s19 =	sor.u32 $0x8080, s30;
	v9 =	vor.u32 $0xF, v2;
	v11 =	vld.idx.msk [tilespmem:v47+s9+$0x0], $0xffff;
	[tilespmem:s2+$0x0] =	vst v3  }
0x100: {  	s26 =	sor.u32 s22, s19;
	[tilespmem:s4+$0x0] =	vst v7  }
0x101: {  	[tilespmem:s26+$0x0] =	vst v8  }
0x102: {  	s24 =	sor.u32 s20, s19;
	v3 =	vld.idx.msk [tilespmem:v31+s9+$0x0], $0xffff;
	[tilespmem:s6+$0x0] =	vst v10  }
0x103: {  	s25 =	sor.u32 s21, s19;
	v7 =	vor.u32 $0xF, v1;
	v5 =	vld.idx.msk [tilespmem:v5+s9+$0x0], $0xffff;
	[tilespmem:s24+$0x0] =	vst v4  }
0x104: {  	s3 =	sor.u32 s23, s19;
	v8 =	vld.idx.msk [tilespmem:v9+s9+$0x0], $0xffff;
	[tilespmem:s25+$0x0] =	vst v12  }
0x105: {  	v12 =	vmov v56;
	[tilespmem:s3+$0x0] =	vst v11;
	v10 =	vld.idx.msk [tilespmem:v27+s9+$0x0], $0xffff  }
0x106: {  	[tilespmem:$0x1FE30] =	vst v12;
	v12 =	vld.idx.msk [tilespmem:v62+s9+$0x0], $0xffff  }
0x107: {  	v9 =	vor.u32 $0x1D, v0;
	v4 =	vld.idx.msk [tilespmem:v45+s9+$0x0], $0xffff;
	[tilespmem:s7+$0x0] =	vst v3  }
0x108: {  	s6 =	sor.u32 $0x8100, s30;
	v11 =	vor.u32 $0x10, v2;
	v7 =	vld.idx.msk [tilespmem:v7+s9+$0x0], $0xffff;
	[tilespmem:s17+$0x0] =	vst v5;
	v5 =	vmov v37  }
0x109: {  	s12 =	sor.u32 s22, s6;
	[tilespmem:$0x1FE10] =	vst v5  }
0x10a: {  	v3 =	vld.idx.msk [tilespmem:v26+s9+$0x0], $0xffff;
	[tilespmem:s12+$0x0] =	vst v8  }
0x10b: {  	s2 =	sor.u32 s23, s6;
	[tilespmem:s8+$0x0] =	vst v10  }
0x10c: {  	s11 =	sor.u32 s21, s6;
	v5 =	vor.u32 $0x10, v1;
	v8 =	vld.idx.msk [tilespmem:v9+s9+$0x0], $0xffff;
	[tilespmem:s2+$0x0] =	vst v4  }
0x10d: {  	s10 =	sor.u32 s20, s6;
	v9 =	vld.idx.msk [tilespmem:v11+s9+$0x0], $0xffff;
	[tilespmem:s11+$0x0] =	vst v12  }
0x10e: {  	[tilespmem:s10+$0x0] =	vst v7;
	v7 =	vld.idx.msk [tilespmem:v58+s9+$0x0], $0xffff  }
0x10f: {  	v10 =	vor.u32 $0x1E, v0;
	[tilespmem:s0+$0x0] =	vst v3;
	v11 =	vld.idx.msk [tilespmem:v24+s9+$0x0], $0xffff  }
0x110: {  	[tilespmem:$0x1FE50] =	vst v44;
	s19 =	rddreg [dreg:$0x8];
	v4 =	vor.u32 $0x11, v2;
	v3 =	vld.idx.msk [tilespmem:v25+s9+$0x0], $0xffff  }
0x111: {  	s13 =	sadd.s32 $0xE180, s30;
	v5 =	vld.idx.msk [tilespmem:v5+s9+$0x0], $0xffff;
	[tilespmem:s19+$0x0] =	vst v8;
	v8 =	vmov v30  }
0x112: {  	s29 =	sadd.s32 $0x40, s29;
	s18 =	sor.u32 s22, s13;
	s24 =	rddreg [dreg:$0x5];
	v12 =	vld.idx.msk [tilespmem:v59+s9+$0x0], $0xffff;
	[tilespmem:$0x1FE20] =	vst v8  }
0x113: {  	s25 =	sand.u32 $0x40, s29;
	s6 =	sadd.s32 $0x4, s24;
	s2 =	sor.u32 s23, s13;
	[tilespmem:s18+$0x0] =	vst v9  }
0x114: {  	s26 =	sand.u32 $0xF80, s29;
	s28 =	sor.u32 $0x30, s25;
	[dreg:$0x5] =	wrdreg s6;
	v8 =	vld.idx.msk [tilespmem:v10+s9+$0x0], $0xffff;
	[tilespmem:s2+$0x0] =	vst v7  }
0x115: {  	p2 =	slt.u32 s6, $0xC4;
	s6 =	sor.u32 $0x20, s25;
	v4 =	vld.idx.msk [tilespmem:v4+s9+$0x0], $0xffff;
	[tilespmem:s5+$0x0] =	vst v11;
	s5 =	sor.u32 s28, s26  }
0x116: {  	s4 =	sor.u32 s6, s26;
	s17 =	sor.u32 s21, s13;
	[tilespmem:s31+$0x0] =	vst v3;
	v11 =	vld [tilespmem:s5+$0x0]  }
0x117: {  	v10 =	vmov v13;
	[tilespmem:s17+$0x0] =	vst v12;
	v13 =	vld [tilespmem:s4+$0x0]  }
0x118: {  	[tilespmem:$0x1FF00] =	vst v20;
	s8 =	sor.u32 $0x10, s25;
	v9 =	vld.idx.msk [tilespmem:v23+s9+$0x0], $0xffff  }
0x119: {  	s16 =	sor.u32 s20, s13;
	s7 =	sor.u32 s8, s26;
	[tilespmem:$0x1FE40] =	vst v10;
	v10 =	vld.idx.msk [tilespmem:v50+s9+$0x0], $0xffff  }
0x11a: {  	v7 =	vor.u32 $0x12, v2;
	[tilespmem:s16+$0x0] =	vst v5;
	s16 =	rddreg [dreg:$0x7];
	v12 =	vld [tilespmem:s7+$0x0]  }
0x11b: {  	s10 =	sadd.s32 $0xE200, s30;
	[tilespmem:s16+$0x0] =	vst v8;
	v8 =	vld.idx.msk [tilespmem:v34+s9+$0x0], $0xffff  }
0x11c: {  	[tilespmem:$0x1FF40] =	vst v18;
	s13 =	sor.u32 s22, s10;
	v5 =	vor.u32 $0x11, v1  }
0x11d: {  	[tilespmem:s13+$0x0] =	vst v4;
	v4 =	vor.u32 $0x1F, v0  }
0x11e: {  	s12 =	sor.u32 s21, s10;
	v0 =	vmov v1;
	v1 =	vshll.u32 v6, $0x5;
	[tilespmem:s1+$0x0] =	vst v9  }
0x11f: {  	s0 =	sor.u32 s23, s10;
	v6 =	vld.idx.msk [tilespmem:v7+s9+$0x0], $0xffff;
	v50 =	vshll.u32 v11, $0x5;
	v21 =	vshll.u32 v13, $0x5;
	[tilespmem:s12+$0x0] =	vst v10  }
0x120: {  	v41 =	vmov v32;
	v13 =	vld.idx.msk [tilespmem:v22+s9+$0x0], $0xffff;
	v32 =	vshll.u32 v12, $0x5;
	v22 =	vor.u32 $0x9, v21;
	[tilespmem:s0+$0x0] =	vst v8  }
0x121: {  	v20 =	vor.u32 $0x13, v2;
	v9 =	vld.idx.msk [tilespmem:v5+s9+$0x0], $0xffff;
	[tilespmem:$0x1FEC0] =	vst v22;
	v22 =	vor.u32 $0xC, v32  }
0x122: {  	s17 =	sadd.s32 $0xE280, s30;
	v35 =	vld.idx.msk [tilespmem:v4+s9+$0x0], $0xffff;
	[tilespmem:$0x1FF80] =	vst v22;
	v22 =	vor.u32 $0xB, v21  }
0x123: {  	s24 =	sor.u32 s22, s17;
	v38 =	vld.idx.msk [tilespmem:v1+s9+$0x0], $0xffff;
	[tilespmem:$0x1FF20] =	vst v22  }
0x124: {  	v22 =	vor.u32 $0xC, v21;
	v42 =	vld.idx.msk [tilespmem:v50+s9+$0x0], $0xffff;
	[tilespmem:s24+$0x0] =	vst v6  }
0x125: {  	s11 =	sor.u32 s20, s10;
	v18 =	vld.idx.msk [tilespmem:v36+s9+$0x0], $0xffff;
	[tilespmem:$0x1FFA0] =	vst v22  }
0x126: {  	[tilespmem:s11+$0x0] =	vst v9;
	v6 =	vld.idx.msk [tilespmem:v20+s9+$0x0], $0xffff;
	v20 =	vor.u32 $0x8, v32  }
0x127: {  	[tilespmem:$0x1FE70] =	vst v20  }
0x128: {  	v20 =	vor.u32 $0x8, v21;
	[tilespmem:s14+$0x0] =	vst v35  }
0x129: {  	s3 =	rddreg [dreg:$0x4];
	s19 =	sor.u32 s21, s17;
	[tilespmem:$0x1FE80] =	vst v20  }
0x12a: {  	v15 =	vor.u32 $0x12, v0;
	v9 =	vld.idx.msk [tilespmem:v32+s9+$0x0], $0xffff;
	s11 =	sadd.s32 $0x200, s3;
	[tilespmem:s19+$0x0] =	vst v18;
	v18 =	vor.u32 $0x9, v32  }
0x12b: {  	[dreg:$0x3] =	wrdreg s29;
	s29 =	sand.u32 $0x7C00, s11;
	[tilespmem:$0x1FEB0] =	vst v18  }
0x12c: {  	s7 =	sadd.s32 $0x1980, s29;
	v18 =	vld.idx.msk [tilespmem:v21+s9+$0x0], $0xffff;
	[tilespmem:s15+$0x0] =	vst v13;
	v13 =	vor.u32 $0xA, v32  }
0x12d: {  	s3 =	sor.u32 s28, s7;
	[tilespmem:$0x1FEE0] =	vst v13  }
0x12e: {  	v20 =	vor.u32 $0x1, v50;
	s0 =	sor.u32 s25, s7;
	[tilespmem:s3+$0x0] =	vst v42  }
0x12f: {  	v10 =	vor.u32 $0x1, v1;
	v15 =	vld.idx.msk [tilespmem:v15+s9+$0x0], $0xffff;
	v13 =	vor.u32 $0xB, v32;
	[tilespmem:s0+$0x0] =	vst v38  }
0x130: {  	s2 =	sor.u32 s8, s7;
	[tilespmem:$0x1FF10] =	vst v13  }
0x131: {  	s10 =	sadd.s32 $0xE300, s30;
	v33 =	vor.u32 $0x1, v32;
	v51 =	vld.idx.msk [tilespmem:v51+s9+$0x0], $0xffff;
	v13 =	vor.u32 $0xA, v21;
	[tilespmem:s2+$0x0] =	vst v9  }
0x132: {  	s12 =	sor.u32 s22, s10;
	[tilespmem:$0x1FEF0] =	vst v13  }
0x133: {  	v44 =	vmov v39;
	v39 =	vor.u32 $0x14, v2;
	s18 =	sor.u32 s20, s17;
	v42 =	vld.idx.msk [tilespmem:v20+s9+$0x0], $0xffff;
	[tilespmem:s12+$0x0] =	vst v6  }
0x134: {  	v22 =	vld.idx.msk [tilespmem:v10+s9+$0x0], $0xffff;
	v6 =	vor.u32 $0x11, v32;
	[tilespmem:s18+$0x0] =	vst v15  }
0x135: {  	v36 =	vor.u32 $0x1, v21;
	s1 =	sor.u32 s6, s7;
	v13 =	vld.idx.msk [tilespmem:v55+s9+$0x0], $0xffff;
	[tilespmem:$0x1FF30] =	vst v6  }
0x136: {  	v3 =	vor.u32 $0x13, v0;
	v43 =	vld.idx.msk [tilespmem:v33+s9+$0x0], $0xffff;
	[tilespmem:s1+$0x0] =	vst v18;
	v6 =	vor.u32 $0x11, v21  }
0x137: {  	v30 =	vor.u32 $0x2, v1;
	v28 =	vor.u32 $0x2, v21;
	[tilespmem:$0x1FF90] =	vst v6;
	v6 =	vor.u32 $0x13, v32  }
0x138: {  	v19 =	vor.u32 $0x3, v21;
	v55 =	vor.u32 $0x2, v50;
	v39 =	vld.idx.msk [tilespmem:v39+s9+$0x0], $0xffff;
	[tilespmem:$0x1FFB0] =	vst v6;
	v6 =	vor.u32 $0x12, v21  }
0x139: {  	v40 =	vmovc v14;
	s26 =	sor.u32 s23, s17;
	v14 =	vor.u32 $0x4, v21;
	v11 =	vor.u32 $0x5, v21;
	v38 =	vor.u32 $0x15, v2;
	[tilespmem:$0x1FF60] =	vst v6  }
0x13a: {  	v48 =	vor.u32 $0xD, v21;
	v47 =	vor.u32 $0xE, v21;
	v34 =	vor.u32 $0x2, v32;
	v36 =	vld.idx.msk [tilespmem:v36+s9+$0x0], $0xffff;
	[tilespmem:s26+$0x0] =	vst v13  }
0x13b: {  	v46 =	vor.u32 $0xF, v21;
	v45 =	vor.u32 $0x10, v21;
	v23 =	vor.u32 $0x14, v21;
	s15 =	sadd.s32 $0xE380, s30;
	v27 =	vld.idx.msk [tilespmem:v3+s9+$0x0], $0xffff;
	[tilespmem:s2+$0x80] =	vst v43  }
0x13c: {  	v25 =	vor.u32 $0x15, v21;
	v37 =	vor.u32 $0x1D, v21;
	v8 =	vor.u32 $0x6, v21;
	s17 =	sor.u32 s22, s15;
	v26 =	vld.idx.msk [tilespmem:v54+s9+$0x0], $0xffff;
	[tilespmem:s3+$0x80] =	vst v42  }
0x13d: {  	v4 =	vor.u32 $0x7, v21;
	v9 =	vor.u32 $0x18, v21;
	v43 =	vor.u32 $0x1B, v32;
	v29 =	vld.idx.msk [tilespmem:v55+s9+$0x0], $0xffff;
	[tilespmem:s17+$0x0] =	vst v39  }
0x13e: {  	v20 =	vor.u32 $0x16, v21;
	v3 =	vor.u32 $0x19, v21;
	v6 =	vor.u32 $0x13, v21;
	[tilespmem:$0x1FFD0] =	vst v43;
	v31 =	vld.idx.msk [tilespmem:v38+s9+$0x0], $0xffff  }
0x13f: {  	s14 =	sor.u32 s21, s10;
	v13 =	vor.u32 $0x17, v21;
	v43 =	vor.u32 $0x1B, v21;
	v55 =	vor.u32 $0x1A, v21;
	v38 =	vmovc v53;
	v53 =	vld.idx.msk [tilespmem:v34+s9+$0x0], $0xffff;
	[tilespmem:s1+$0x80] =	vst v36  }
0x140: {  	v39 =	vor.u32 $0x1C, v21;
	[tilespmem:s14+$0x0] =	vst v51;
	v36 =	vor.u32 $0x1E, v21;
	v51 =	vor.u32 $0x1F, v21;
	v21 =	vld [tilespmem:$0x1FFE0]  }
0x141: {  	[tilespmem:$0x1FF50] =	vst v17;
	v54 =	vor.u32 $0x3, v50  }
0x142: {  	[tilespmem:s0+$0x80] =	vst v22;
	v22 =	vld.idx.msk [tilespmem:v28+s9+$0x0], $0xffff;
	v28 =	vor.u32 $0x16, v2  }
0x143: {  	v35 =	vmov v52;
	v52 =	vor.u32 $0x14, v32;
	s7 =	sor.u32 s23, s10;
	[tilespmem:s3+$0x100] =	vst v29;
	v29 =	vld [tilespmem:$0x1FFF0]  }
0x144: {  	v17 =	vor.u32 $0x3, v32;
	s19 =	sadd.s32 $0xE400, s30;
	v30 =	vld.idx.msk [tilespmem:v30+s9+$0x0], $0xffff;
	v58 =	vmov v6;
	[tilespmem:s7+$0x0] =	vst v26;
	v26 =	vmov v52  }
0x145: {  	s26 =	sor.u32 s22, s19;
	[tilespmem:$0x1FFE0] =	vst v26;
	v26 =	vor.u32 $0x3, v1  }
0x146: {  	v52 =	vmov v23;
	v23 =	vld.idx.msk [tilespmem:v54+s9+$0x0], $0xffff;
	[tilespmem:s26+$0x0] =	vst v31  }
0x147: {  	[tilespmem:$0x1FFC0] =	vst v16;
	v54 =	vmovc v58;
	v58 =	vmov v45;
	v45 =	vmov v46;
	v46 =	vor.u32 $0x14, v0;
	v28 =	vld.idx.msk [tilespmem:v28+s9+$0x0], $0xffff  }
0x148: {  	v21 =	vld.idx.msk [tilespmem:v21+s9+$0x0], $0xffff;
	[tilespmem:s2+$0x100] =	vst v53  }
0x149: {  	s13 =	sor.u32 s20, s10;
	[tilespmem:s0+$0x100] =	vst v30;
	v17 =	vld.idx.msk [tilespmem:v17+s9+$0x0], $0xffff  }
0x14a: {  	v16 =	vor.u32 $0x4, v32;
	v26 =	vld.idx.msk [tilespmem:v26+s9+$0x0], $0xffff;
	[tilespmem:s13+$0x0] =	vst v27  }
0x14b: {  	v29 =	vld.idx.msk [tilespmem:v29+s9+$0x0], $0xffff;
	[tilespmem:s1+$0x100] =	vst v22;
	v22 =	vor.u32 $0x4, v50  }
0x14c: {  	s16 =	sor.u32 s21, s15;
	v30 =	vor.u32 $0x17, v2;
	v27 =	vld.idx.msk [tilespmem:v46+s9+$0x0], $0xffff;
	[tilespmem:s3+$0x180] =	vst v23  }
0x14d: {  	v19 =	vld.idx.msk [tilespmem:v19+s9+$0x0], $0xffff;
	[tilespmem:s16+$0x0] =	vst v21;
	v21 =	vor.u32 $0x4, v1  }
0x14e: {  	s13 =	sadd.s32 $0xE480, s30;
	v23 =	vld.idx.msk [tilespmem:v38+s9+$0x0], $0xffff;
	[tilespmem:s2+$0x180] =	vst v17  }
0x14f: {  	s14 =	sor.u32 s22, s13;
	v16 =	vld.idx.msk [tilespmem:v16+s9+$0x0], $0xffff  }
0x150: {  	p1 =	por !p1, !p1;
	[dreg:$0xb] =	wrdreg s6;
	v24 =	vor.u32 $0x15, v32;
	s6 =	simm.s32 $0x1;
	v17 =	vor.u32 $0x15, v0;
	v22 =	vld.idx.msk [tilespmem:v22+s9+$0x0], $0xffff;
	[tilespmem:s14+$0x0] =	vst v28  }
0x151: {  	s6 =	simm.s32 @!p1 $0x0;
	v53 =	vmov v24;
	[tilespmem:s0+$0x180] =	vst v26;
	v24 =	vld.idx.msk [tilespmem:v30+s9+$0x0], $0xffff  }
0x152: {  	v12 =	vor.u32 $0x5, v32;
	s5 =	sor.u32 s20, s15;
	s18 =	sor.u32 s23, s15;
	s15 =	sshll.u32 s6, $0x6;
	[tilespmem:s1+$0x180] =	vst v19;
	v21 =	vld.idx.msk [tilespmem:v21+s9+$0x0], $0xffff  }
0x153: {  	v19 =	vor.u32 $0x5, v50;
	s1 =	sadd.s32 s15, s11;
	[tilespmem:s5+$0x0] =	vst v27;
	v14 =	vld.idx.msk [tilespmem:v14+s9+$0x0], $0xffff  }
0x154: {  	[dreg:$0xa] =	wrdreg s8;
	s0 =	sadd.s32 $0x10, s1;
	[tilespmem:s18+$0x0] =	vst v29;
	v29 =	vld [tilespmem:$0x1FE00]  }
0x155: {  	s24 =	sor.u32 s20, s19;
	v26 =	vor.u32 $0x18, v2;
	s2 =	sadd.s32 $0x30, s1;
	v17 =	vld.idx.msk [tilespmem:v17+s9+$0x0], $0xffff;
	s17 =	sor.u32 $0x200, s0  }
0x156: {  	s8 =	sor.u32 s21, s19;
	s4 =	sor.u32 s23, s19;
	s19 =	sor.u32 $0x200, s2;
	v27 =	vld.idx.msk [tilespmem:v61+s9+$0x0], $0xffff;
	[tilespmem:s17+$0x1980] =	vst v16  }
0x157: {  	s5 =	sadd.s32 $0xE500, s30;
	[tilespmem:s19+$0x1980] =	vst v22;
	v12 =	vld.idx.msk [tilespmem:v12+s9+$0x0], $0xffff  }
0x158: {  	[dreg:$0xd] =	wrdreg s24;
	s24 =	sor.u32 s22, s5;
	v61 =	vmov v25;
	v25 =	vor.u32 $0x5, v1;
	[tilespmem:s8+$0x0] =	vst v23;
	v19 =	vld.idx.msk [tilespmem:v19+s9+$0x0], $0xffff  }
0x159: {  	s6 =	sadd.s32 $0x20, s1;
	[tilespmem:s24+$0x0] =	vst v24;
	v23 =	vld.idx.msk [tilespmem:v35+s9+$0x0], $0xffff  }
0x15a: {  	[dreg:$0x4] =	wrdreg s11;
	[tilespmem:$0x1FFF0] =	vst v52;
	s3 =	sor.u32 s20, s13;
	s26 =	sor.u32 $0x200, s6;
	v16 =	vld.idx.msk [tilespmem:v26+s9+$0x0], $0xffff  }
0x15b: {  	s10 =	sor.u32 s21, s13;
	s7 =	sor.u32 s23, s13;
	s16 =	sor.u32 $0x200, s1;
	v26 =	vld [tilespmem:$0x1FE10];
	[tilespmem:s26+$0x1980] =	vst v14;
	v14 =	vor.u32 $0x6, v50  }
0x15c: {  	s11 =	sor.u32 $0x280, s0;
	s18 =	sor.u32 $0x280, s6;
	s13 =	sor.u32 $0x300, s6;
	[tilespmem:s16+$0x1980] =	vst v21;
	v21 =	vor.u32 $0x19, v2;
	v11 =	vld.idx.msk [tilespmem:v11+s9+$0x0], $0xffff  }
0x15d: {  	v18 =	vor.u32 $0x16, v32;
	s31 =	sor.u32 $0x380, s6;
	s6 =	sor.u32 s20, s5;
	s8 =	sadd.s32 $0x14580, s30;
	v22 =	vld.idx.msk [tilespmem:v25+s9+$0x0], $0xffff;
	[tilespmem:s4+$0x0] =	vst v27  }
0x15e: {  	v52 =	vmov v18;
	v18 =	vor.u32 $0x6, v1;
	s24 =	sor.u32 s21, s5;
	s16 =	sor.u32 s23, s5;
	s5 =	sor.u32 $0x280, s2;
	v25 =	vld [tilespmem:$0x1FE20];
	[tilespmem:s11+$0x1980] =	vst v12  }
0x15f: {  	s4 =	sor.u32 s22, s8;
	[tilespmem:s5+$0x1980] =	vst v19;
	v19 =	vld.idx.msk [tilespmem:v60+s9+$0x0], $0xffff;
	v60 =	vmov v20;
	v20 =	vor.u32 $0x16, v0  }
0x160: {  	s26 =	sor.u32 s20, s8;
	v14 =	vld.idx.msk [tilespmem:v14+s9+$0x0], $0xffff;
	[tilespmem:s4+$0x0] =	vst v16  }
0x161: {  	v7 =	vor.u32 $0x6, v32;
	s15 =	sor.u32 $0x280, s1;
	[dreg:$0xc] =	wrdreg s26;
	v12 =	vld.idx.msk [tilespmem:v21+s9+$0x0], $0xffff;
	[tilespmem:s18+$0x1980] =	vst v11  }
0x162: {  	s26 =	rddreg [dreg:$0xd];
	v11 =	vor.u32 $0x7, v50;
	[tilespmem:s15+$0x1980] =	vst v22;
	v8 =	vld.idx.msk [tilespmem:v8+s9+$0x0], $0xffff  }
0x163: {  	v18 =	vld.idx.msk [tilespmem:v18+s9+$0x0], $0xffff;
	[tilespmem:s26+$0x0] =	vst v17  }
0x164: {  	v16 =	vor.u32 $0x1A, v2;
	s4 =	sor.u32 $0x300, s2;
	v17 =	vld.idx.msk [tilespmem:v20+s9+$0x0], $0xffff  }
0x165: {  	v20 =	vor.u32 $0x7, v1;
	[tilespmem:s4+$0x1980] =	vst v14;
	v14 =	vld [tilespmem:$0x1FE50]  }
0x166: {  	v7 =	vld.idx.msk [tilespmem:v7+s9+$0x0], $0xffff;
	s5 =	sadd.s32 $0x14600, s30  }
0x167: {  	[tilespmem:s10+$0x0] =	vst v23;
	s11 =	sor.u32 s22, s5;
	v11 =	vld.idx.msk [tilespmem:v11+s9+$0x0], $0xffff  }
0x168: {  	s12 =	sor.u32 $0x300, s1;
	v27 =	vld [tilespmem:$0x1FE30];
	[tilespmem:s11+$0x0] =	vst v12  }
0x169: {  	v5 =	vor.u32 $0x7, v32;
	v12 =	vld.idx.msk [tilespmem:v16+s9+$0x0], $0xffff;
	[tilespmem:s12+$0x1980] =	vst v18  }
0x16a: {  	[tilespmem:s13+$0x1980] =	vst v8;
	v16 =	vld.idx.msk [tilespmem:v20+s9+$0x0], $0xffff  }
0x16b: {  	s2 =	sor.u32 $0x380, s2;
	v8 =	vor.u32 $0x8, v50;
	[tilespmem:s3+$0x0] =	vst v17;
	v17 =	vld [tilespmem:$0x1FE60]  }
0x16c: {  	s14 =	sor.u32 $0x300, s0;
	[tilespmem:s2+$0x1980] =	vst v11;
	v11 =	vld [tilespmem:$0x1FE70]  }
0x16d: {  	v14 =	vld.idx.msk [tilespmem:v14+s9+$0x0], $0xffff;
	[tilespmem:s14+$0x1980] =	vst v7  }
0x16e: {  	v5 =	vld.idx.msk [tilespmem:v5+s9+$0x0], $0xffff  }
0x16f: {  	s13 =	sadd.s32 $0x14680, s30;
	v4 =	vld.idx.msk [tilespmem:v4+s9+$0x0], $0xffff  }
0x170: {  	s15 =	sor.u32 s22, s13;
	v8 =	vld.idx.msk [tilespmem:v8+s9+$0x0], $0xffff  }
0x171: {  	[tilespmem:s15+$0x0] =	vst v12;
	v12 =	vld [tilespmem:$0x1FE80];
	v7 =	vor.u32 $0x17, v0  }
0x172: {  	v15 =	vor.u32 $0x17, v32;
	s17 =	sor.u32 $0x380, s0;
	v24 =	vmovc v41;
	v41 =	vmov v13;
	v13 =	vor.u32 $0x8, v1;
	v23 =	vld [tilespmem:$0x1FE40];
	[tilespmem:s7+$0x0] =	vst v19  }
0x173: {  	v31 =	vmov v44;
	v44 =	vmov v15;
	v15 =	vor.u32 $0x1B, v2;
	v17 =	vld.idx.msk [tilespmem:v17+s9+$0x0], $0xffff;
	[tilespmem:s17+$0x1980] =	vst v5  }
0x174: {  	[tilespmem:s31+$0x1980] =	vst v4;
	v11 =	vld.idx.msk [tilespmem:v11+s9+$0x0], $0xffff  }
0x175: {  	s19 =	sor.u32 $0x380, s1;
	[tilespmem:s24+$0x0] =	vst v14;
	v14 =	vld [tilespmem:$0x1FE90]  }
0x176: {  	v4 =	vor.u32 $0x9, v50;
	v7 =	vld.idx.msk [tilespmem:v7+s9+$0x0], $0xffff;
	[tilespmem:s19+$0x1980] =	vst v16  }
0x177: {  	v13 =	vld.idx.msk [tilespmem:v13+s9+$0x0], $0xffff  }
0x178: {  	s18 =	smov.u32 s25;
	v5 =	vld.idx.msk [tilespmem:v15+s9+$0x0], $0xffff;
	s17 =	sadd.s32 $0x7D80, s29  }
0x179: {  	s25 =	smov.u32 s28;
	s12 =	sadd.s32 $0x14700, s30;
	v12 =	vld.idx.msk [tilespmem:v12+s9+$0x0], $0xffff;
	s11 =	sor.u32 s28, s17  }
0x17a: {  	v10 =	vor.u32 $0x18, v32;
	s10 =	sor.u32 s23, s13;
	s3 =	sor.u32 s21, s13;
	v15 =	vor.u32 $0x1C, v2;
	s28 =	rddreg [dreg:$0xa];
	[tilespmem:s11+$0x0] =	vst v8;
	v8 =	vld [tilespmem:$0x1FEA0]  }
0x17b: {  	v21 =	vmov v10;
	v10 =	vor.u32 $0x9, v1;
	s14 =	sor.u32 s20, s13;
	s19 =	sor.u32 s18, s17;
	s24 =	rddreg [dreg:$0xb];
	v4 =	vld.idx.msk [tilespmem:v4+s9+$0x0], $0xffff  }
0x17c: {  	v22 =	vmov v40;
	v40 =	vmov v9;
	v9 =	vor.u32 $0x18, v0;
	s13 =	sor.u32 s28, s17;
	s15 =	sor.u32 s24, s17;
	s17 =	sor.u32 s22, s12;
	[tilespmem:s19+$0x0] =	vst v13;
	v13 =	vld [tilespmem:$0x1FEC0]  }
0x17d: {  	[tilespmem:s17+$0x0] =	vst v5;
	v14 =	vld.idx.msk [tilespmem:v14+s9+$0x0], $0xffff  }
0x17e: {  	[tilespmem:s13+$0x0] =	vst v11;
	v11 =	vld [tilespmem:$0x1FEB0]  }
0x17f: {  	v5 =	vld.idx.msk [tilespmem:v15+s9+$0x0], $0xffff  }
0x180: {  	s4 =	sor.u32 s20, s12;
	s19 =	sadd.s32 $0x7E00, s29;
	v10 =	vld.idx.msk [tilespmem:v10+s9+$0x0], $0xffff;
	[tilespmem:s6+$0x0] =	vst v7  }
0x181: {  	s2 =	sor.u32 s23, s12;
	[tilespmem:s16+$0x0] =	vst v17;
	s16 =	sor.u32 s21, s12;
	s12 =	sor.u32 s25, s19;
	v7 =	vld.idx.msk [tilespmem:v9+s9+$0x0], $0xffff  }
0x182: {  	v9 =	vor.u32 $0xA, v1;
	[tilespmem:s12+$0x0] =	vst v4;
	v4 =	vld [tilespmem:$0x1FED0]  }
0x183: {  	v8 =	vld.idx.msk [tilespmem:v8+s9+$0x0], $0xffff;
	[tilespmem:s15+$0x0] =	vst v12;
	v12 =	vor.u32 $0xA, v50  }
0x184: {  	s11 =	sor.u32 s18, s19;
	v13 =	vld.idx.msk [tilespmem:v13+s9+$0x0], $0xffff  }
0x185: {  	[tilespmem:s11+$0x0] =	vst v10;
	v10 =	vld [tilespmem:$0x1FEF0]  }
0x186: {  	s0 =	sor.u32 s21, s8;
	v15 =	vor.u32 $0x1D, v2;
	s13 =	sadd.s32 $0x14780, s30;
	v11 =	vld.idx.msk [tilespmem:v11+s9+$0x0], $0xffff  }
0x187: {  	v6 =	vor.u32 $0x19, v32;
	v9 =	vld.idx.msk [tilespmem:v9+s9+$0x0], $0xffff;
	[tilespmem:s0+$0x0] =	vst v14;
	s0 =	sor.u32 s22, s13  }
0x188: {  	v19 =	vmov v6;
	[dreg:$0x9] =	wrdreg s14;
	s14 =	sor.u32 s28, s19;
	s19 =	sor.u32 s24, s19;
	v6 =	vld.idx.msk [tilespmem:v12+s9+$0x0], $0xffff;
	[tilespmem:s0+$0x0] =	vst v5;
	v5 =	vor.u32 $0x19, v0  }
0x189: {  	v12 =	vld [tilespmem:$0x1FEE0];
	[tilespmem:s19+$0x0] =	vst v13;
	v13 =	vor.u32 $0xB, v50  }
0x18a: {  	v20 =	vmov v3;
	v3 =	vor.u32 $0xB, v1;
	s17 =	sor.u32 s20, s13;
	s6 =	sor.u32 s21, s13;
	v4 =	vld.idx.msk [tilespmem:v4+s9+$0x0], $0xffff  }
0x18b: {  	s7 =	sor.u32 s23, s13;
	s15 =	sadd.s32 $0x7E80, s29;
	s13 =	rddreg [dreg:$0xc];
	[tilespmem:s14+$0x0] =	vst v11;
	v11 =	vld.idx.msk [tilespmem:v15+s9+$0x0], $0xffff  }
0x18c: {  	s19 =	sor.u32 s25, s15;
	[tilespmem:s13+$0x0] =	vst v7;
	v7 =	vld [tilespmem:$0x1FF00]  }
0x18d: {  	s12 =	sor.u32 s18, s15;
	[tilespmem:s19+$0x0] =	vst v6;
	v5 =	vld.idx.msk [tilespmem:v5+s9+$0x0], $0xffff  }
0x18e: {  	s14 =	sadd.s32 $0x14800, s30;
	v6 =	vld.idx.msk [tilespmem:v13+s9+$0x0], $0xffff;
	[tilespmem:s12+$0x0] =	vst v9  }
0x18f: {  	s19 =	sor.u32 s22, s14;
	v13 =	vld.idx.msk [tilespmem:v3+s9+$0x0], $0xffff  }
0x190: {  	[tilespmem:s19+$0x0] =	vst v11;
	v11 =	vld [tilespmem:$0x1FF10]  }
0x191: {  	v3 =	vld [tilespmem:$0x1FF40]  }
0x192: {  	v33 =	vor.u32 $0x1A, v32;
	v14 =	vor.u32 $0x1E, v2;
	v12 =	vld.idx.msk [tilespmem:v12+s9+$0x0], $0xffff  }
0x193: {  	v18 =	vmov v33;
	v33 =	vld [tilespmem:$0x1FF70]  }
0x194: {  	s8 =	sor.u32 s23, s8;
	v10 =	vld.idx.msk [tilespmem:v10+s9+$0x0], $0xffff  }
0x195: {  	[tilespmem:s8+$0x0] =	vst v8;
	v9 =	vld [tilespmem:$0x1FF20]  }
0x196: {  	s13 =	sor.u32 s28, s15;
	v7 =	vld.idx.msk [tilespmem:v7+s9+$0x0], $0xffff  }
0x197: {  	s26 =	sor.u32 s21, s5;
	[tilespmem:s13+$0x0] =	vst v12;
	v8 =	vld.idx.msk [tilespmem:v14+s9+$0x0], $0xffff  }
0x198: {  	v11 =	vld.idx.msk [tilespmem:v11+s9+$0x0], $0xffff;
	[tilespmem:s26+$0x0] =	vst v4  }
0x199: {  	v49 =	vor.u32 $0xD, v32;
	v63 =	vor.u32 $0xE, v32;
	v14 =	vld.idx.msk [tilespmem:v3+s9+$0x0], $0xffff  }
0x19a: {  	v62 =	vor.u32 $0xF, v32;
	v59 =	vor.u32 $0x10, v32;
	v57 =	vor.u32 $0x12, v32;
	s11 =	sor.u32 s24, s15;
	v3 =	vld [tilespmem:$0x1FF50]  }
0x19b: {  	v56 =	vor.u32 $0x1D, v32;
	v42 =	vor.u32 $0x1C, v32;
	v17 =	vmovc v55;
	v55 =	vld [tilespmem:$0x1FF60];
	[tilespmem:s11+$0x0] =	vst v10;
	v10 =	vor.u32 $0xC, v50;
	s19 =	sadd.s32 $0x7F00, s29  }
0x19c: {  	v34 =	vor.u32 $0x1E, v32;
	v32 =	vor.u32 $0x1F, v32;
	v12 =	vor.u32 $0x1F, v2;
	v2 =	vmovc v50;
	v50 =	vld [tilespmem:$0x1FF30];
	s12 =	sor.u32 s18, s19  }
0x19d: {  	s1 =	sor.u32 s20, s5;
	s5 =	sor.u32 s23, s5;
	[tilespmem:s12+$0x0] =	vst v13;
	v9 =	vld.idx.msk [tilespmem:v9+s9+$0x0], $0xffff  }
0x19e: {  	s15 =	sor.u32 s20, s14;
	s8 =	sor.u32 s21, s14;
	[tilespmem:s5+$0x0] =	vst v7;
	v7 =	vld [tilespmem:$0x1FF80];
	s26 =	sor.u32 s25, s19;
	v4 =	vor.u32 $0xC, v1  }
0x19f: {  	s0 =	sor.u32 s23, s14;
	s14 =	sadd.s32 $0x14880, s30;
	[dreg:$0x8] =	wrdreg s15;
	v13 =	vmov v32;
	v32 =	vmov v34;
	v34 =	vld [tilespmem:$0x1FF90];
	[tilespmem:s26+$0x0] =	vst v6  }
0x1a0: {  	s15 =	sor.u32 s28, s19;
	s11 =	sor.u32 s24, s19;
	s19 =	sor.u32 s22, s14;
	v6 =	vld.idx.msk [tilespmem:v10+s9+$0x0], $0xffff  }
0x1a1: {  	[tilespmem:s19+$0x0] =	vst v8;
	v8 =	vld [tilespmem:$0x1FFA0]  }
0x1a2: {  	v3 =	vld.idx.msk [tilespmem:v3+s9+$0x0], $0xffff  }
0x1a3: {  	[tilespmem:s11+$0x0] =	vst v9;
	v9 =	vld.idx.msk [tilespmem:v4+s9+$0x0], $0xffff  }
0x1a4: {  	[tilespmem:s1+$0x0] =	vst v5;
	v5 =	vld [tilespmem:$0x1FFC0]  }
0x1a5: {  	s13 =	sadd.s32 $0x7F80, s29;
	v10 =	vor.u32 $0x1A, v0;
	v12 =	vld.idx.msk [tilespmem:v12+s9+$0x0], $0xffff;
	[tilespmem:s15+$0x0] =	vst v11  }
0x1a6: {  	v15 =	vor.u32 $0xD, v2;
	v7 =	vld.idx.msk [tilespmem:v7+s9+$0x0], $0xffff;
	s1 =	sor.u32 s25, s13  }
0x1a7: {  	s31 =	sor.u32 s23, s14;
	s26 =	sor.u32 s20, s14;
	[tilespmem:s1+$0x0] =	vst v6;
	v6 =	vld [tilespmem:$0x1FFD0]  }
.Ltmp0:
0x1a8: {  	s12 =	sor.u32 s18, s13;
	[dreg:$0x7] =	wrdreg s26;
	[tilespmem:s3+$0x0] =	vst v14;
	v14 =	vmov v51;
	v51 =	vld [tilespmem:$0x1FFB0];
	(pc) =	sbr.rel @p2 .LBB2_2-.Ltmp0, $4  }
0x1a9: {  	s5 =	sor.u32 s21, s14;
	s14 =	sor.u32 s28, s13;
	s15 =	rddreg [dreg:$0x6];
	v8 =	vld.idx.msk [tilespmem:v8+s9+$0x0], $0xffff  }
0x1aa: {  	s19 =	smov.u32 s29;
	s26 =	sadd.s32 $0x40, s15;
	s15 =	sadd.s32 $0x14900, s30;
	v4 =	vld.idx.msk [tilespmem:v10+s9+$0x0], $0xffff  }
0x1ab: {  	s29 =	rddreg [dreg:$0x3];
	s30 =	sor.u32 s22, s15;
	s22 =	sor.u32 s20, s15;
	v10 =	vld.idx.msk [tilespmem:v15+s9+$0x0], $0xffff  }
0x1ac: {  	v30 =	vmovc v36;
	v36 =	vmov v57;
	v11 =	vor.u32 $0xD, v1;
	s13 =	sor.u32 s24, s13;
	s1 =	sor.u32 s21, s15;
	s15 =	sor.u32 s23, s15;
	[tilespmem:s30+$0x0] =	vst v12;
	v16 =	vmov v6;
	v5 =	vld.idx.msk [tilespmem:v5+s9+$0x0], $0xffff  }
0x1ad: {  	_ =	sdelay $0x2  }
0x1ae: {  	[tilespmem:s14+$0x0] =	vst v7  }
0x1af: {  	v12 =	vor.u32 $0xE, v2;
	v6 =	vld.idx.msk [tilespmem:v49+s9+$0x0], $0xffff  }
0x1b0: {  	[tilespmem:s13+$0x0] =	vst v8  }
0x1b1: {  	s11 =	sor.u32 $0x8000, s19;
	v8 =	vld.idx.msk [tilespmem:v48+s9+$0x0], $0xffff  }
0x1b2: {  	[tilespmem:s12+$0x0] =	vst v9;
	s29 =	sor.u32 s25, s11  }
0x1b3: {  	v9 =	vld.idx.msk [tilespmem:v11+s9+$0x0], $0xffff;
	s30 =	sor.u32 s28, s11;
	[tilespmem:s29+$0x0] =	vst v10  }
0x1b4: {  	v15 =	vor.u32 $0xE, v1;
	v28 =	vld.idx.msk [tilespmem:v12+s9+$0x0], $0xffff;
	[tilespmem:s30+$0x0] =	vst v6  }
0x1b5: {  	v38 =	vor.u32 $0xF, v2;
	s3 =	sor.u32 s24, s11;
	v35 =	vld.idx.msk [tilespmem:v63+s9+$0x0], $0xffff  }
0x1b6: {  	[tilespmem:s3+$0x0] =	vst v8  }
0x1b7: {  	s11 =	sor.u32 s18, s11;
	s13 =	sor.u32 $0x8080, s19;
	v46 =	vld.idx.msk [tilespmem:v47+s9+$0x0], $0xffff  }
0x1b8: {  	s14 =	sor.u32 s25, s13;
	[tilespmem:s11+$0x0] =	vst v9  }
0x1b9: {  	s20 =	sor.u32 s28, s13;
	v47 =	vld.idx.msk [tilespmem:v15+s9+$0x0], $0xffff;
	[tilespmem:s14+$0x0] =	vst v28  }
0x1ba: {  	v48 =	vor.u32 $0xF, v1;
	v6 =	vld.idx.msk [tilespmem:v38+s9+$0x0], $0xffff;
	[tilespmem:s20+$0x0] =	vst v35  }
0x1bb: {  	v49 =	vor.u32 $0x10, v2;
	s21 =	sor.u32 s24, s13;
	v7 =	vld.idx.msk [tilespmem:v62+s9+$0x0], $0xffff  }
0x1bc: {  	[tilespmem:s21+$0x0] =	vst v46  }
0x1bd: {  	s23 =	sor.u32 $0x8100, s19;
	s11 =	sor.u32 s18, s13;
	v9 =	vld.idx.msk [tilespmem:v45+s9+$0x0], $0xffff  }
0x1be: {  	s26 =	sor.u32 s25, s23;
	[tilespmem:s11+$0x0] =	vst v47  }
0x1bf: {  	s29 =	sor.u32 s28, s23;
	v10 =	vld.idx.msk [tilespmem:v48+s9+$0x0], $0xffff;
	[tilespmem:s26+$0x0] =	vst v6  }
0x1c0: {  	v57 =	vor.u32 $0x10, v1;
	v6 =	vld.idx.msk [tilespmem:v49+s9+$0x0], $0xffff;
	[tilespmem:s29+$0x0] =	vst v7  }
0x1c1: {  	s30 =	sor.u32 s24, s23;
	v62 =	vor.u32 $0x11, v2;
	v7 =	vld.idx.msk [tilespmem:v59+s9+$0x0], $0xffff  }
0x1c2: {  	[tilespmem:s30+$0x0] =	vst v9  }
0x1c3: {  	s3 =	sadd.s32 $0xE180, s19;
	s11 =	sor.u32 s18, s23;
	v9 =	vld.idx.msk [tilespmem:v58+s9+$0x0], $0xffff  }
0x1c4: {  	s13 =	sor.u32 s25, s3;
	[tilespmem:s11+$0x0] =	vst v10  }
0x1c5: {  	s14 =	sor.u32 s28, s3;
	v10 =	vld.idx.msk [tilespmem:v57+s9+$0x0], $0xffff;
	[tilespmem:s13+$0x0] =	vst v6  }
0x1c6: {  	v63 =	vor.u32 $0x11, v1;
	v6 =	vld.idx.msk [tilespmem:v62+s9+$0x0], $0xffff;
	[tilespmem:s14+$0x0] =	vst v7  }
0x1c7: {  	v12 =	vor.u32 $0x12, v2;
	s20 =	sor.u32 s24, s3;
	v7 =	vld.idx.msk [tilespmem:v50+s9+$0x0], $0xffff  }
0x1c8: {  	[tilespmem:s20+$0x0] =	vst v9  }
0x1c9: {  	s21 =	sadd.s32 $0xE200, s19;
	s11 =	sor.u32 s18, s3;
	v9 =	vld.idx.msk [tilespmem:v34+s9+$0x0], $0xffff  }
0x1ca: {  	s23 =	sor.u32 s25, s21;
	[tilespmem:s11+$0x0] =	vst v10  }
0x1cb: {  	s26 =	sor.u32 s28, s21;
	v10 =	vld.idx.msk [tilespmem:v63+s9+$0x0], $0xffff;
	[tilespmem:s23+$0x0] =	vst v6  }
0x1cc: {  	v15 =	vor.u32 $0x12, v1;
	v6 =	vld.idx.msk [tilespmem:v12+s9+$0x0], $0xffff;
	[tilespmem:s26+$0x0] =	vst v7  }
0x1cd: {  	v28 =	vor.u32 $0x13, v2;
	s29 =	sor.u32 s24, s21;
	v7 =	vld.idx.msk [tilespmem:v36+s9+$0x0], $0xffff  }
0x1ce: {  	[tilespmem:s29+$0x0] =	vst v9  }
0x1cf: {  	s30 =	sadd.s32 $0xE280, s19;
	s11 =	sor.u32 s18, s21;
	v9 =	vld.idx.msk [tilespmem:v55+s9+$0x0], $0xffff  }
0x1d0: {  	s3 =	sor.u32 s25, s30;
	[tilespmem:s11+$0x0] =	vst v10  }
0x1d1: {  	s13 =	sor.u32 s28, s30;
	v10 =	vld.idx.msk [tilespmem:v15+s9+$0x0], $0xffff;
	[tilespmem:s3+$0x0] =	vst v6  }
0x1d2: {  	v6 =	vld.idx.msk [tilespmem:v28+s9+$0x0], $0xffff;
	[tilespmem:s13+$0x0] =	vst v7  }
0x1d3: {  	s14 =	sor.u32 s24, s30;
	v36 =	vld.idx.msk [tilespmem:v51+s9+$0x0], $0xffff  }
0x1d4: {  	[tilespmem:s14+$0x0] =	vst v9  }
0x1d5: {  	s20 =	sadd.s32 $0xE300, s19;
	s11 =	sor.u32 s18, s30;
	v9 =	vld.idx.msk [tilespmem:v54+s9+$0x0], $0xffff  }
0x1d6: {  	s21 =	sor.u32 s25, s20;
	[tilespmem:s11+$0x0] =	vst v10  }
0x1d7: {  	v34 =	vor.u32 $0x13, v1;
	s23 =	sor.u32 s28, s20;
	[tilespmem:s21+$0x0] =	vst v6  }
0x1d8: {  	[tilespmem:s23+$0x0] =	vst v36  }
0x1d9: {  	s26 =	sor.u32 s24, s20;
	v8 =	vld [tilespmem:$0x1FFE0]  }
0x1da: {  	v35 =	vor.u32 $0x14, v2;
	[tilespmem:s26+$0x0] =	vst v9  }
0x1db: {  	v9 =	vld [tilespmem:$0x1FFF0]  }
0x1dc: {  	v10 =	vld.idx.msk [tilespmem:v34+s9+$0x0], $0xffff  }
0x1dd: {  	v38 =	vor.u32 $0x14, v1;
	_ =	sdelay $0x1  }
0x1de: {  	v6 =	vld.idx.msk [tilespmem:v35+s9+$0x0], $0xffff  }
0x1df: {  	v45 =	vor.u32 $0x15, v2;
	s11 =	sor.u32 s18, s20  }
0x1e0: {  	[tilespmem:s11+$0x0] =	vst v10;
	v8 =	vld.idx.msk [tilespmem:v8+s9+$0x0], $0xffff  }
0x1e1: {  	s29 =	sadd.s32 $0xE380, s19;
	v10 =	vld.idx.msk [tilespmem:v38+s9+$0x0], $0xffff  }
0x1e2: {  	v46 =	vor.u32 $0x15, v1;
	s30 =	sor.u32 s25, s29;
	v9 =	vld.idx.msk [tilespmem:v9+s9+$0x0], $0xffff  }
0x1e3: {  	[tilespmem:s30+$0x0] =	vst v6  }
0x1e4: {  	s3 =	sor.u32 s28, s29;
	v6 =	vld.idx.msk [tilespmem:v45+s9+$0x0], $0xffff  }
0x1e5: {  	v47 =	vor.u32 $0x16, v2;
	s11 =	sor.u32 s18, s29;
	[tilespmem:s3+$0x0] =	vst v8  }
0x1e6: {  	s13 =	sor.u32 s24, s29;
	[tilespmem:s11+$0x0] =	vst v10;
	v8 =	vld.idx.msk [tilespmem:v53+s9+$0x0], $0xffff  }
0x1e7: {  	s14 =	sadd.s32 $0xE400, s19;
	v10 =	vld.idx.msk [tilespmem:v46+s9+$0x0], $0xffff;
	[tilespmem:s13+$0x0] =	vst v9  }
0x1e8: {  	v48 =	vor.u32 $0x16, v1;
	s20 =	sor.u32 s25, s14;
	v9 =	vld.idx.msk [tilespmem:v61+s9+$0x0], $0xffff  }
0x1e9: {  	[tilespmem:s20+$0x0] =	vst v6  }
0x1ea: {  	s21 =	sor.u32 s28, s14;
	v6 =	vld.idx.msk [tilespmem:v47+s9+$0x0], $0xffff  }
0x1eb: {  	v49 =	vor.u32 $0x17, v2;
	s11 =	sor.u32 s18, s14;
	[tilespmem:s21+$0x0] =	vst v8  }
0x1ec: {  	s23 =	sor.u32 s24, s14;
	[tilespmem:s11+$0x0] =	vst v10;
	v8 =	vld.idx.msk [tilespmem:v52+s9+$0x0], $0xffff  }
0x1ed: {  	s26 =	sadd.s32 $0xE480, s19;
	v10 =	vld.idx.msk [tilespmem:v48+s9+$0x0], $0xffff;
	[tilespmem:s23+$0x0] =	vst v9  }
0x1ee: {  	v50 =	vor.u32 $0x17, v1;
	s29 =	sor.u32 s25, s26;
	v9 =	vld.idx.msk [tilespmem:v60+s9+$0x0], $0xffff  }
0x1ef: {  	[tilespmem:s29+$0x0] =	vst v6  }
0x1f0: {  	s30 =	sor.u32 s28, s26;
	v6 =	vld.idx.msk [tilespmem:v49+s9+$0x0], $0xffff  }
0x1f1: {  	v51 =	vor.u32 $0x18, v2;
	s11 =	sor.u32 s18, s26;
	[tilespmem:s30+$0x0] =	vst v8  }
0x1f2: {  	s3 =	sor.u32 s24, s26;
	[tilespmem:s11+$0x0] =	vst v10;
	v8 =	vld.idx.msk [tilespmem:v44+s9+$0x0], $0xffff  }
0x1f3: {  	s12 =	sadd.s32 $0xE500, s19;
	v10 =	vld.idx.msk [tilespmem:v50+s9+$0x0], $0xffff;
	[tilespmem:s3+$0x0] =	vst v9  }
0x1f4: {  	s13 =	sor.u32 s25, s12;
	v52 =	vor.u32 $0x18, v1;
	v9 =	vld.idx.msk [tilespmem:v41+s9+$0x0], $0xffff  }
0x1f5: {  	[tilespmem:s13+$0x0] =	vst v6  }
0x1f6: {  	[tilespmem:s10+$0x0] =	vst v3;
	s14 =	sor.u32 s28, s12;
	v7 =	vld.idx.msk [tilespmem:v51+s9+$0x0], $0xffff  }
0x1f7: {  	v54 =	vor.u32 $0x19, v2;
	s21 =	sor.u32 s18, s12;
	[tilespmem:s14+$0x0] =	vst v8  }
0x1f8: {  	s20 =	sor.u32 s24, s12;
	[tilespmem:s21+$0x0] =	vst v10;
	v55 =	vld.idx.msk [tilespmem:v21+s9+$0x0], $0xffff  }
0x1f9: {  	s23 =	sadd.s32 $0x14580, s19;
	v3 =	vld.idx.msk [tilespmem:v52+s9+$0x0], $0xffff;
	[tilespmem:s20+$0x0] =	vst v9  }
0x1fa: {  	v59 =	vor.u32 $0x19, v1;
	s26 =	sor.u32 s25, s23;
	v57 =	vld.idx.msk [tilespmem:v40+s9+$0x0], $0xffff;
	s3 =	rddreg [dreg:$0x9];
	[tilespmem:s16+$0x0] =	vst v5  }
0x1fb: {  	v58 =	vld.idx.msk [tilespmem:v33+s9+$0x0], $0xffff;
	[tilespmem:s26+$0x0] =	vst v7  }
0x1fc: {  	v53 =	vor.u32 $0x1B, v0;
	s29 =	sor.u32 s28, s23;
	[tilespmem:s3+$0x0] =	vst v4;
	v7 =	vld.idx.msk [tilespmem:v54+s9+$0x0], $0xffff  }
0x1fd: {  	v60 =	vor.u32 $0x1A, v2;
	s3 =	sor.u32 s18, s23;
	v63 =	vld.idx.msk [tilespmem:v29+s9+$0x0], $0xffff;
	[tilespmem:s29+$0x0] =	vst v55  }
0x1fe: {  	s30 =	sor.u32 s24, s23;
	[tilespmem:s3+$0x0] =	vst v3;
	v9 =	vld.idx.msk [tilespmem:v19+s9+$0x0], $0xffff  }
0x1ff: {  	s11 =	sadd.s32 $0x14600, s19;
	v62 =	vld.idx.msk [tilespmem:v59+s9+$0x0], $0xffff;
	[tilespmem:s30+$0x0] =	vst v57  }
0x200: {  	v12 =	vor.u32 $0x1A, v1;
	s12 =	sor.u32 s25, s11;
	[tilespmem:s2+$0x0] =	vst v58;
	v61 =	vld.idx.msk [tilespmem:v20+s9+$0x0], $0xffff  }
0x201: {  	v6 =	vld.idx.msk [tilespmem:v53+s9+$0x0], $0xffff;
	[tilespmem:s12+$0x0] =	vst v7  }
0x202: {  	s13 =	sor.u32 s28, s11;
	[tilespmem:s6+$0x0] =	vst v63;
	v7 =	vld.idx.msk [tilespmem:v60+s9+$0x0], $0xffff  }
0x203: {  	s2 =	sor.u32 s18, s11;
	v19 =	vld.idx.msk [tilespmem:v31+s9+$0x0], $0xffff;
	v20 =	vor.u32 $0x1B, v2;
	[tilespmem:s13+$0x0] =	vst v9  }
0x204: {  	v15 =	vor.u32 $0x1C, v0;
	s14 =	sor.u32 s24, s11;
	[tilespmem:s2+$0x0] =	vst v62;
	v21 =	vld.idx.msk [tilespmem:v18+s9+$0x0], $0xffff  }
0x205: {  	s16 =	sadd.s32 $0x14680, s19;
	v29 =	vld.idx.msk [tilespmem:v12+s9+$0x0], $0xffff;
	[tilespmem:s14+$0x0] =	vst v61  }
0x206: {  	v33 =	vor.u32 $0x1B, v1;
	s20 =	sor.u32 s25, s16;
	[tilespmem:s4+$0x0] =	vst v6;
	v28 =	vld.idx.msk [tilespmem:v17+s9+$0x0], $0xffff  }
0x207: {  	v34 =	vld.idx.msk [tilespmem:v27+s9+$0x0], $0xffff;
	[tilespmem:s20+$0x0] =	vst v7  }
0x208: {  	s21 =	sor.u32 s28, s16;
	[tilespmem:s7+$0x0] =	vst v19;
	v3 =	vld.idx.msk [tilespmem:v20+s9+$0x0], $0xffff  }
0x209: {  	v36 =	vor.u32 $0x1C, v2;
	v31 =	vld.idx.msk [tilespmem:v15+s9+$0x0], $0xffff;
	s2 =	sor.u32 s18, s16;
	[tilespmem:s21+$0x0] =	vst v21  }
0x20a: {  	v35 =	vor.u32 $0x1D, v0;
	s23 =	sor.u32 s24, s16;
	[tilespmem:s2+$0x0] =	vst v29;
	v8 =	vld.idx.msk [tilespmem:v16+s9+$0x0], $0xffff  }
0x20b: {  	s26 =	sadd.s32 $0x14700, s19;
	v40 =	vld.idx.msk [tilespmem:v33+s9+$0x0], $0xffff;
	[tilespmem:s23+$0x0] =	vst v28  }
0x20c: {  	s29 =	sor.u32 s25, s26;
	[tilespmem:s8+$0x0] =	vst v34;
	v38 =	vld.idx.msk [tilespmem:v43+s9+$0x0], $0xffff;
	v43 =	vor.u32 $0x1C, v1  }
0x20d: {  	v41 =	vld.idx.msk [tilespmem:v26+s9+$0x0], $0xffff;
	[tilespmem:s29+$0x0] =	vst v3  }
0x20e: {  	s30 =	sor.u32 s28, s26;
	[tilespmem:s17+$0x0] =	vst v31;
	v3 =	vld.idx.msk [tilespmem:v36+s9+$0x0], $0xffff  }
0x20f: {  	v44 =	vor.u32 $0x1D, v2;
	v7 =	vld.idx.msk [tilespmem:v35+s9+$0x0], $0xffff;
	s2 =	sor.u32 s18, s26;
	[tilespmem:s30+$0x0] =	vst v8  }
0x210: {  	s4 =	sor.u32 s24, s26;
	[tilespmem:s2+$0x0] =	vst v40;
	v45 =	vld.idx.msk [tilespmem:v42+s9+$0x0], $0xffff  }
0x211: {  	s6 =	sadd.s32 $0x14780, s19;
	[tilespmem:s4+$0x0] =	vst v38;
	v47 =	vld.idx.msk [tilespmem:v43+s9+$0x0], $0xffff  }
0x212: {  	v49 =	vor.u32 $0x1D, v1;
	s7 =	sor.u32 s25, s6;
	[tilespmem:s0+$0x0] =	vst v41;
	v46 =	vld.idx.msk [tilespmem:v39+s9+$0x0], $0xffff  }
0x213: {  	v48 =	vld.idx.msk [tilespmem:v24+s9+$0x0], $0xffff;
	s2 =	rddreg [dreg:$0x8];
	[tilespmem:s7+$0x0] =	vst v3  }
0x214: {  	s8 =	sor.u32 s28, s6;
	[tilespmem:s2+$0x0] =	vst v7;
	v3 =	vld.idx.msk [tilespmem:v44+s9+$0x0], $0xffff  }
0x215: {  	v51 =	vor.u32 $0x1E, v2;
	s0 =	sor.u32 s18, s6;
	v11 =	vld.idx.msk [tilespmem:v25+s9+$0x0], $0xffff;
	[tilespmem:s8+$0x0] =	vst v45  }
0x216: {  	v50 =	vor.u32 $0x1E, v0;
	s10 =	sor.u32 s24, s6;
	[tilespmem:s0+$0x0] =	vst v47;
	v5 =	vld.idx.msk [tilespmem:v56+s9+$0x0], $0xffff  }
0x217: {  	s11 =	sadd.s32 $0x14800, s19;
	[tilespmem:s10+$0x0] =	vst v46;
	v7 =	vld.idx.msk [tilespmem:v49+s9+$0x0], $0xffff  }
0x218: {  	v53 =	vor.u32 $0x1E, v1;
	s12 =	sor.u32 s25, s11;
	[tilespmem:s5+$0x0] =	vst v48;
	v6 =	vld.idx.msk [tilespmem:v37+s9+$0x0], $0xffff  }
0x219: {  	v54 =	vld.idx.msk [tilespmem:v23+s9+$0x0], $0xffff;
	[tilespmem:s12+$0x0] =	vst v3  }
0x21a: {  	s13 =	sor.u32 s28, s11;
	[tilespmem:s31+$0x0] =	vst v11;
	v3 =	vld.idx.msk [tilespmem:v51+s9+$0x0], $0xffff  }
0x21b: {  	v52 =	vld.idx.msk [tilespmem:v50+s9+$0x0], $0xffff;
	s0 =	sor.u32 s18, s11;
	v56 =	vor.u32 $0x1F, v2;
	[tilespmem:s13+$0x0] =	vst v5  }
0x21c: {  	v55 =	vor.u32 $0x1F, v0;
	s14 =	sor.u32 s24, s11;
	[tilespmem:s0+$0x0] =	vst v7;
	v57 =	vld.idx.msk [tilespmem:v32+s9+$0x0], $0xffff  }
0x21d: {  	s16 =	sadd.s32 $0x14880, s19;
	[tilespmem:s14+$0x0] =	vst v6;
	v59 =	vld.idx.msk [tilespmem:v53+s9+$0x0], $0xffff  }
0x21e: {  	v61 =	vor.u32 $0x1F, v1;
	s17 =	sor.u32 s25, s16;
	v58 =	vld.idx.msk [tilespmem:v30+s9+$0x0], $0xffff;
	s0 =	rddreg [dreg:$0x7];
	[tilespmem:s1+$0x0] =	vst v54  }
0x21f: {  	v60 =	vld.idx.msk [tilespmem:v22+s9+$0x0], $0xffff;
	[tilespmem:s17+$0x0] =	vst v3  }
0x220: {  	s20 =	sor.u32 s28, s16;
	[tilespmem:s0+$0x0] =	vst v52;
	v2 =	vld.idx.msk [tilespmem:v56+s9+$0x0], $0xffff  }
0x221: {  	s0 =	sor.u32 s18, s16;
	v0 =	vld.idx.msk [tilespmem:v55+s9+$0x0], $0xffff;
	[tilespmem:s20+$0x0] =	vst v57  }
0x222: {  	s21 =	sor.u32 s24, s16;
	[tilespmem:s0+$0x0] =	vst v59;
	v62 =	vld.idx.msk [tilespmem:v13+s9+$0x0], $0xffff  }
0x223: {  	s23 =	sadd.s32 $0x14900, s19;
	[tilespmem:s21+$0x0] =	vst v58;
	v1 =	vld.idx.msk [tilespmem:v61+s9+$0x0], $0xffff  }
0x224: {  	s26 =	sor.u32 s25, s23;
	[tilespmem:s15+$0x0] =	vst v60;
	v63 =	vld.idx.msk [tilespmem:v14+s9+$0x0], $0xffff  }
0x225: {  	[tilespmem:s26+$0x0] =	vst v2  }
0x226: {  	s28 =	sor.u32 s28, s23;
	[tilespmem:s22+$0x0] =	vst v0  }
0x227: {  	s0 =	sor.u32 s18, s23;
	[tilespmem:s28+$0x0] =	vst v62  }
0x228: {  	s29 =	sor.u32 s24, s23;
	[tilespmem:s0+$0x0] =	vst v1  }
0x229: {  	[tilespmem:s29+$0x0] =	vst v63  }
0x22a: {  	s1 =	simm.s32 @p0 $0x1980;
	s0 =	simm.s32 @p0 $0x0;
	s3 =	rddreg [dreg:$0x11]  }
0x22b: {  	[hbm4b:s3+s0] =	stream.linear.scatter @p0 [tilespmem:s1], [sflag:$0x1], $0x1C00, $0x38;
	[tilespmem:$0x1A980] =	vst v63  }
0x22c: {  	s2 =	simm.s32 @p0 $0x7D80;
	s1 =	sadd.s32 @p0 $0x18700, s3  }
0x22d: {  	[hbm4b:s1+s0] =	stream.linear.scatter @p0 [tilespmem:s2], [sflag:$0x1], $0x1C00, $0x38;
	[tilespmem:$0x1A980] =	vst v63  }
0x22e: {  	s1 =	sadd.s32 @p0 $0x30E00, s3;
	s2 =	simm.s32 @p0 $0xE180  }
0x22f: {  	[hbm4b:s1+s0] =	stream.linear.scatter @p0 [tilespmem:s2], [sflag:$0x1], $0x1C00, $0x38;
	[tilespmem:$0x1A980] =	vst v63  }
0x230: {  	s1 =	sadd.s32 @p0 $0x49500, s3;
	s2 =	simm.s32 @p0 $0x14580  }
0x231: {  	[hbm4b:s1+s0] =	stream.linear.scatter @p0 [tilespmem:s2], [sflag:$0x1], $0x1C00, $0x38;
	[tilespmem:$0x1A980] =	vst v63  }
0x232: {  	s0 =	simm.s32 @p0 $0x1  }
0x233: {  	_ =	swait.ge @p0 [sflag:s0], $0x7000  }
0x234: {  	s1 =	simm.s32 @!p0 $0xC3800;
	s2 =	simm.s32 @!p0 $0x1980;
	[sflag:s0] =	ssyncset.done @p0 $0x0  }
0x235: {  	s3 =	rddreg [dreg:$0x10];
	[sflag:s0] =	ssyncadd.s32 @p0 $0xFFFF9000;
	s0 =	simm.s32 @!p0 $0x6400  }
0x236: {  	[hbm4b:s3+s0] =	stream.strided.scatter @!p0 [tilespmem:s2], [sflag:$0x1], $0x19000, s1, s0, $0x38;
	[tilespmem:$0x1A980] =	vst v63  }
0x237: {  	s0 =	simm.s32 @!p0 $0x1  }
0x238: {  	_ =	swait.ge @!p0 [sflag:s0], $0x19000  }
0x239: {  	s30 =	rddreg [dreg:$0x13]  }
0x23a: {  	s31 =	rddreg [dreg:$0x12];
	s2 =	sadd.s32 $0x1, s30  }
0x23b: {  	p1 =	sne.s32 s2, s31  }
.Ltmp1:
0x23c: {  	_ = 	snop;
	(pc) =	sbr.rel @p1 .LBB2_1-.Ltmp1, $3  }
0x23d: {  	_ =	sdelay $0x1  }
0x23e: {  	[sflag:s0] =	ssyncset.done @!p0 $0x0  }
0x23f: {  	[sflag:s0] =	ssyncadd.s32 @!p0 $0xFFFE7000  }
0x240: {  	_ =	sfence.sel $0x180000  }
0x241: {  	[bflag:$0x0] =	sbarrier.arrive $0xFFFF  }
0x242: {  	_ =	strace $0x90000047  }
0x243: {  	s0 =	stileid.u32;
	[bflag:$0x2] =	sbarrier.arrive $0xFFFF  }
0x244: {  	p0 =	sne.s32 s0, $0x0;
	s0 =	rddreg [dreg:$0x2]  }
0x245: {  	s0 =	sadd.s32 @!p0 $0x100000, s0  }
0x246: {  	[sflag:s0] =	ssyncadd.tile.s32 @!p0 $0x1;
	_ =	shalt  }
.Lfunc_end2:
_tile_overlayer_lowered:
.L_overlay_start_2:
0x247: {  	(tag) =	ssettag $0x2  }
0x248: {  	s0 =	rddreg [dreg:$0x0];
	s2 =	stileid.u32  }
0x249: {  	s1 =	rddreg [dreg:$0x1];
	p0 =	sne.s32 s2, $0x0  }
0x24a: {  	s3 =	rddreg [dreg:$0x2];
	[bflag:$0x3] =	sbarrier.arrive $0xFFFF;
	s2 =	simm.s32 @!p0 $0x1C01  }
0x24b: {  	[timem:s3], [sflag:s2] =	dma.local @!p0 [hbm:s0], s1  }
0x24c: {  	s0 =	simm.s32 @!p0 $0x1  }
0x24d: {  	_ =	swait.ge @!p0 [sflag:s0], s1  }
0x24e: {  	s1 =	ssub.s32 @!p0 $0x0, s1;
	[sflag:s0] =	ssyncset.done @!p0 $0x0  }
0x24f: {  	[sflag:s0] =	ssyncadd.s32 @!p0 s1  }
0x250: {  	[bflag:$0x3] =	sbarrier.arrive $0xFFFF  }
0x251: {  	_ =	shalt  }

</sc_bundles>
